<compile_context>
chip_gen: v7x
topology: tpu7x:2x2x1
jax: 0.10.2.dev20260603
libtpu: 0.0.44.dev20260713+nightly
codegen_flags: <defaults>
</compile_context>

<pallas_src>
import jax
import jax.numpy as jnp
from jax import lax
from jax.experimental import pallas as pl
from jax.experimental.pallas import tpu as pltpu
from jax.experimental.pallas import tpu_sc as plsc

N_EXPERTS = 16
TOP_K = 2
D_MODEL = 2048
N_TOKENS = 16384

BLK = 1024

NC = 2
NS = 16
NW = NC * NS
TOK_PER_W = N_TOKENS // NW
LANES = 16
TTILES = TOK_PER_W // 128


def _gemm_body(t_ref, x_ref, w_ref, lg_ref):
    inv_t = 1.0 / t_ref[0]
    lg_ref[...] = jax.lax.dot_general(
        w_ref[...], x_ref[...],
        dimension_numbers=(((1,), (1,)), ((), ())),
        preferred_element_type=jnp.float32,
    ) * inv_t


def _gate_logits_t(x, W, t):
    return pl.pallas_call(
        _gemm_body,
        grid=(N_TOKENS // BLK,),
        in_specs=[
            pl.BlockSpec(memory_space=pltpu.SMEM),
            pl.BlockSpec((BLK, D_MODEL), lambda i: (i, 0)),
            pl.BlockSpec((N_EXPERTS, D_MODEL), lambda i: (0, 0)),
        ],
        out_specs=pl.BlockSpec((N_EXPERTS, BLK), lambda i: (0, i)),
        out_shape=jax.ShapeDtypeStruct((N_EXPERTS, N_TOKENS), jnp.float32),
        compiler_params=pltpu.CompilerParams(
            dimension_semantics=("arbitrary",),
        ),
    )(t, x, W)


def _sc_route_body(lgt_hbm, rm_hbm, idx_hbm, lg_v, rm_v, idx_v, sem):
    wid = lax.axis_index("s") * NC + lax.axis_index("c")
    base = wid * TOK_PER_W

    neg_inf = jnp.full((LANES,), -jnp.inf, jnp.float32)
    zero_f = jnp.zeros((LANES,), jnp.float32)
    e_consts = [jnp.full((LANES,), e, jnp.int32) for e in range(N_EXPERTS)]

    cp0 = pltpu.async_copy(
        lgt_hbm.at[pl.ds(0, 8), pl.ds(base, TOK_PER_W)],
        lg_v.at[pl.ds(0, 8), :], sem)
    cp1 = pltpu.async_copy(
        lgt_hbm.at[pl.ds(8, 8), pl.ds(base, TOK_PER_W)],
        lg_v.at[pl.ds(8, 8), :], sem)
    cp0.wait()
    cp1.wait()

    def group(j, c2):
        o = j * LANES
        cols = [lg_v[e, pl.ds(o, LANES)] for e in range(N_EXPERTS)]
        m0 = cols[0]
        i0 = e_consts[0]
        for e in range(1, N_EXPERTS):
            gt = cols[e] > m0
            m0 = jnp.where(gt, cols[e], m0)
            i0 = jnp.where(gt, e_consts[e], i0)
        m1 = neg_inf
        i1 = e_consts[0]
        for e in range(N_EXPERTS):
            cand = jnp.where(i0 == e_consts[e], neg_inf, cols[e])
            gt = cand > m1
            m1 = jnp.where(gt, cand, m1)
            i1 = jnp.where(gt, e_consts[e], i1)
        ex = jnp.exp(m1 - m0)
        w0 = 1.0 / (1.0 + ex)
        w1 = ex * w0
        for e in range(N_EXPERTS):
            rm_v[e, pl.ds(o, LANES)] = jnp.where(
                i0 == e_consts[e], w0,
                jnp.where(i1 == e_consts[e], w1, zero_f))
        idx_v[0, pl.ds(o, LANES)] = i0
        idx_v[1, pl.ds(o, LANES)] = i1
        return c2

    lax.fori_loop(0, TOK_PER_W // LANES, group, 0)

    pltpu.sync_copy(rm_v.at[pl.ds(0, 8), :],
                    rm_hbm.at[pl.ds(0, 8), pl.ds(base, TOK_PER_W)])
    pltpu.sync_copy(rm_v.at[pl.ds(8, 8), :],
                    rm_hbm.at[pl.ds(8, 8), pl.ds(base, TOK_PER_W)])
    pltpu.sync_copy(idx_v, idx_hbm.at[:, pl.ds(base, TOK_PER_W)])


def _sc_route(logits_t):
    mesh = plsc.VectorSubcoreMesh(core_axis_name="c", subcore_axis_name="s")
    return pl.kernel(
        _sc_route_body,
        mesh=mesh,
        out_type=[
            jax.ShapeDtypeStruct((N_EXPERTS, N_TOKENS), jnp.float32),
            jax.ShapeDtypeStruct((TOP_K, N_TOKENS), jnp.int32),
        ],
        scratch_types=[
            pltpu.VMEM((N_EXPERTS, TOK_PER_W), jnp.float32),
            pltpu.VMEM((N_EXPERTS, TOK_PER_W), jnp.float32),
            pltpu.VMEM((TOP_K, TOK_PER_W), jnp.int32),
            pltpu.SemaphoreType.DMA,
        ],
        compiler_params=pltpu.CompilerParams(
            needs_layout_passes=False,
            use_tc_tiling_on_sc=True,
        ),
    )(logits_t)


def kernel(x, W, temperature):
    t = jnp.asarray(temperature, jnp.float32).reshape(1)
    logits_t = _gate_logits_t(x, W, t)
    rm_t, idx_t = _sc_route(logits_t)
    return (rm_t.T, idx_t.T)

# --- scband reference (transcript-rebuilt; emitter-appended) ---
"""Pipeline reference for scband-dynamic-router-56959856280360 (READ-ONLY COPY).

The authoritative reference and input builder live on the scoring server;
editing this copy changes nothing except your own understanding.
"""

import jax, jax.numpy as jnp
import numpy as np

N_EXPERTS = 16
TOP_K = 2
D_MODEL = 2048
N_TOKENS = 16384


def setup_inputs(seed: int = 0) -> dict:
    key = jax.random.key(seed)
    k1, k2 = jax.random.split(key)
    x = jax.random.normal(k1, (N_TOKENS, D_MODEL), dtype=jnp.float32)
    # gate: nn.Linear(input_dim, n_experts, bias=False) -> weight [n_experts, input_dim]
    W = jax.random.normal(k2, (N_EXPERTS, D_MODEL), dtype=jnp.float32) * (1.0 / np.sqrt(D_MODEL))
    temperature = jnp.asarray(1.0, dtype=jnp.float32)
    return {"x": x, "W": W, "temperature": temperature}


def reference(x, W, temperature):
    # logits = gate(x) / temperature
    logits = (x @ W.T) / temperature
    # top-k over experts
    top_k_logits, top_k_indices = jax.lax.top_k(logits, TOP_K)
    routing_weights = jax.nn.softmax(top_k_logits, axis=-1)
    batch_size = x.shape[0]
    # scatter routing weights into dense [B, n_experts] matrix (indices unique per row)
    rows = jnp.arange(batch_size)[:, None]
    routing_matrix = jnp.zeros((batch_size, N_EXPERTS), dtype=x.dtype)
    routing_matrix = routing_matrix.at[rows, top_k_indices].set(routing_weights)
    return (routing_matrix, top_k_indices)

if __name__ == "__main__":
    import jax
    _d = setup_inputs()
    print(jax.jit(kernel)(*tuple(_d.values())))

</pallas_src>

<mosaic_0001>
#map = affine_map<(d0, d1) -> (0, 0)>
module attributes {stable_mosaic.version = 14 : i64} {
  func.func @_sc_route_body(%arg0: i32, %arg1: i32, %arg2: memref<16x16384xf32, #tpu.memory_space<hbm>>, %arg3: memref<16x16384xf32, #tpu.memory_space<hbm>>, %arg4: memref<2x16384xi32, #tpu.memory_space<hbm>>, %arg5: memref<16x512xf32, #tpu.memory_space<vmem>>, %arg6: memref<16x512xf32, #tpu.memory_space<vmem>>, %arg7: memref<2x512xi32, #tpu.memory_space<vmem>>, %arg8: memref<!tpu.dma_semaphore, #tpu.memory_space<semaphore_mem>>) attributes {dimension_semantics = [#tpu.dimension_semantics<core_parallel>, #tpu.dimension_semantics<subcore_parallel>], iteration_bounds = array<i64: 2, 16>, scalar_prefetch = 0 : i64, scratch_operands = 4 : i64, tpu.core_type = #tpu.core_type<sc_vector_subcore>, window_params = [{transform_indices = #map}, {transform_indices = #map}, {transform_indices = #map}]} {
    %mul3A = arith.constant 2 : i32
    %mul3A_0 = arith.muli %arg1, %mul3A : i32
    %add3A = arith.addi %mul3A_0, %arg0 : i32
    %mul3A_1 = arith.constant 512 : i32
    %mul3A_2 = arith.muli %add3A, %mul3A_1 : i32
    %broadcast_in_dim3A = arith.constant 0xFF800000 : f32
    %broadcast_in_dim3A_3 = vector.broadcast %broadcast_in_dim3A : f32 to vector<16xf32>
    %broadcast_in_dim3A_4 = arith.constant 0.000000e+00 : f32
    %broadcast_in_dim3A_5 = vector.broadcast %broadcast_in_dim3A_4 : f32 to vector<16xf32>
    %broadcast_in_dim3A_6 = arith.constant 0 : i32
    %broadcast_in_dim3A_7 = vector.broadcast %broadcast_in_dim3A_6 : i32 to vector<16xi32>
    %broadcast_in_dim3A_8 = arith.constant 1 : i32
    %broadcast_in_dim3A_9 = vector.broadcast %broadcast_in_dim3A_8 : i32 to vector<16xi32>
    %broadcast_in_dim3A_10 = arith.constant 2 : i32
    %broadcast_in_dim3A_11 = vector.broadcast %broadcast_in_dim3A_10 : i32 to vector<16xi32>
    %broadcast_in_dim3A_12 = arith.constant 3 : i32
    %broadcast_in_dim3A_13 = vector.broadcast %broadcast_in_dim3A_12 : i32 to vector<16xi32>
    %broadcast_in_dim3A_14 = arith.constant 4 : i32
    %broadcast_in_dim3A_15 = vector.broadcast %broadcast_in_dim3A_14 : i32 to vector<16xi32>
    %broadcast_in_dim3A_16 = arith.constant 5 : i32
    %broadcast_in_dim3A_17 = vector.broadcast %broadcast_in_dim3A_16 : i32 to vector<16xi32>
    %broadcast_in_dim3A_18 = arith.constant 6 : i32
    %broadcast_in_dim3A_19 = vector.broadcast %broadcast_in_dim3A_18 : i32 to vector<16xi32>
    %broadcast_in_dim3A_20 = arith.constant 7 : i32
    %broadcast_in_dim3A_21 = vector.broadcast %broadcast_in_dim3A_20 : i32 to vector<16xi32>
    %broadcast_in_dim3A_22 = arith.constant 8 : i32
    %broadcast_in_dim3A_23 = vector.broadcast %broadcast_in_dim3A_22 : i32 to vector<16xi32>
    %broadcast_in_dim3A_24 = arith.constant 9 : i32
    %broadcast_in_dim3A_25 = vector.broadcast %broadcast_in_dim3A_24 : i32 to vector<16xi32>
    %broadcast_in_dim3A_26 = arith.constant 10 : i32
    %broadcast_in_dim3A_27 = vector.broadcast %broadcast_in_dim3A_26 : i32 to vector<16xi32>
    %broadcast_in_dim3A_28 = arith.constant 11 : i32
    %broadcast_in_dim3A_29 = vector.broadcast %broadcast_in_dim3A_28 : i32 to vector<16xi32>
    %broadcast_in_dim3A_30 = arith.constant 12 : i32
    %broadcast_in_dim3A_31 = vector.broadcast %broadcast_in_dim3A_30 : i32 to vector<16xi32>
    %broadcast_in_dim3A_32 = arith.constant 13 : i32
    %broadcast_in_dim3A_33 = vector.broadcast %broadcast_in_dim3A_32 : i32 to vector<16xi32>
    %broadcast_in_dim3A_34 = arith.constant 14 : i32
    %broadcast_in_dim3A_35 = vector.broadcast %broadcast_in_dim3A_34 : i32 to vector<16xi32>
    %broadcast_in_dim3A_36 = arith.constant 15 : i32
    %broadcast_in_dim3A_37 = vector.broadcast %broadcast_in_dim3A_36 : i32 to vector<16xi32>
    %dma_start3A = arith.constant 0 : i32
    %dma_start3A_38 = arith.constant 0 : i32
    %dma_start3A_39 = tpu.memref_slice %arg5[%dma_start3A, %dma_start3A_38] : memref<16x512xf32, #tpu.memory_space<vmem>> -> memref<8x512xf32, #tpu.memory_space<vmem>>
    %dma_start3A_40 = arith.constant 0 : i32
    %dma_start3A_41 = tpu.memref_slice %arg2[%dma_start3A_40, %mul3A_2] : memref<16x16384xf32, #tpu.memory_space<hbm>> -> memref<8x512xf32, #tpu.memory_space<hbm>>
    %dma_start3A_42 = arith.constant 0 : i32
    %dma_start3A_43 = arith.constant 0 : i32
    %dma_start3A_44 = tpu.memref_slice %arg5[%dma_start3A_42, %dma_start3A_43] : memref<16x512xf32, #tpu.memory_space<vmem>> -> memref<8x512xf32, #tpu.memory_space<vmem>>
    %dma_start3A_45 = arith.constant 0 : i32
    %dma_start3A_46 = tpu.memref_slice %arg2[%dma_start3A_45, %mul3A_2] : memref<16x16384xf32, #tpu.memory_space<hbm>> -> memref<8x512xf32, #tpu.memory_space<hbm>>
    tpu.enqueue_dma source(%dma_start3A_46 : memref<8x512xf32, #tpu.memory_space<hbm>>) target(%dma_start3A_44 : memref<8x512xf32, #tpu.memory_space<vmem>>) target_semaphore(%arg8 : memref<!tpu.dma_semaphore, #tpu.memory_space<semaphore_mem>>)
    %dma_start3A_47 = arith.constant 8 : i32
    %dma_start3A_48 = arith.constant 0 : i32
    %dma_start3A_49 = tpu.memref_slice %arg5[%dma_start3A_47, %dma_start3A_48] : memref<16x512xf32, #tpu.memory_space<vmem>> -> memref<8x512xf32, #tpu.memory_space<vmem>>
    %dma_start3A_50 = arith.constant 8 : i32
    %dma_start3A_51 = tpu.memref_slice %arg2[%dma_start3A_50, %mul3A_2] : memref<16x16384xf32, #tpu.memory_space<hbm>> -> memref<8x512xf32, #tpu.memory_space<hbm>>
    %dma_start3A_52 = arith.constant 8 : i32
    %dma_start3A_53 = arith.constant 0 : i32
    %dma_start3A_54 = tpu.memref_slice %arg5[%dma_start3A_52, %dma_start3A_53] : memref<16x512xf32, #tpu.memory_space<vmem>> -> memref<8x512xf32, #tpu.memory_space<vmem>>
    %dma_start3A_55 = arith.constant 8 : i32
    %dma_start3A_56 = tpu.memref_slice %arg2[%dma_start3A_55, %mul3A_2] : memref<16x16384xf32, #tpu.memory_space<hbm>> -> memref<8x512xf32, #tpu.memory_space<hbm>>
    tpu.enqueue_dma source(%dma_start3A_56 : memref<8x512xf32, #tpu.memory_space<hbm>>) target(%dma_start3A_54 : memref<8x512xf32, #tpu.memory_space<vmem>>) target_semaphore(%arg8 : memref<!tpu.dma_semaphore, #tpu.memory_space<semaphore_mem>>)
    %dma_wait3A = arith.constant 0 : i32
    %dma_wait3A_57 = arith.constant 0 : i32
    %dma_wait3A_58 = tpu.memref_slice %arg5[%dma_wait3A, %dma_wait3A_57] : memref<16x512xf32, #tpu.memory_space<vmem>> -> memref<8x512xf32, #tpu.memory_space<vmem>>
    %dma_wait3A_59 = arith.constant 0 : i32
    %dma_wait3A_60 = tpu.memref_slice %arg2[%dma_wait3A_59, %mul3A_2] : memref<16x16384xf32, #tpu.memory_space<hbm>> -> memref<8x512xf32, #tpu.memory_space<hbm>>
    %dma_wait3A_61 = arith.constant 0 : i32
    %dma_wait3A_62 = arith.constant 0 : i32
    %dma_wait3A_63 = tpu.memref_slice %arg5[%dma_wait3A_61, %dma_wait3A_62] : memref<16x512xf32, #tpu.memory_space<vmem>> -> memref<8x512xf32, #tpu.memory_space<vmem>>
    %dma_wait3A_64 = arith.constant 0 : i32
    %dma_wait3A_65 = tpu.memref_slice %arg2[%dma_wait3A_64, %mul3A_2] : memref<16x16384xf32, #tpu.memory_space<hbm>> -> memref<8x512xf32, #tpu.memory_space<hbm>>
    tpu.wait_dma2 semaphore(%arg8 : memref<!tpu.dma_semaphore, #tpu.memory_space<semaphore_mem>>) src(%dma_wait3A_65 : memref<8x512xf32, #tpu.memory_space<hbm>>) dst(%dma_wait3A_63 : memref<8x512xf32, #tpu.memory_space<vmem>>)
    %dma_wait3A_66 = arith.constant 8 : i32
    %dma_wait3A_67 = arith.constant 0 : i32
    %dma_wait3A_68 = tpu.memref_slice %arg5[%dma_wait3A_66, %dma_wait3A_67] : memref<16x512xf32, #tpu.memory_space<vmem>> -> memref<8x512xf32, #tpu.memory_space<vmem>>
    %dma_wait3A_69 = arith.constant 8 : i32
    %dma_wait3A_70 = tpu.memref_slice %arg2[%dma_wait3A_69, %mul3A_2] : memref<16x16384xf32, #tpu.memory_space<hbm>> -> memref<8x512xf32, #tpu.memory_space<hbm>>
    %dma_wait3A_71 = arith.constant 8 : i32
    %dma_wait3A_72 = arith.constant 0 : i32
    %dma_wait3A_73 = tpu.memref_slice %arg5[%dma_wait3A_71, %dma_wait3A_72] : memref<16x512xf32, #tpu.memory_space<vmem>> -> memref<8x512xf32, #tpu.memory_space<vmem>>
    %dma_wait3A_74 = arith.constant 8 : i32
    %dma_wait3A_75 = tpu.memref_slice %arg2[%dma_wait3A_74, %mul3A_2] : memref<16x16384xf32, #tpu.memory_space<hbm>> -> memref<8x512xf32, #tpu.memory_space<hbm>>
    tpu.wait_dma2 semaphore(%arg8 : memref<!tpu.dma_semaphore, #tpu.memory_space<semaphore_mem>>) src(%dma_wait3A_75 : memref<8x512xf32, #tpu.memory_space<hbm>>) dst(%dma_wait3A_73 : memref<8x512xf32, #tpu.memory_space<vmem>>)
    %scan3A = arith.constant 0 : i32
    %scan3A_76 = arith.constant 0 : i32
    %scan3A_77 = arith.constant 32 : i32
    %scan3A_78 = arith.addi %scan3A_76, %scan3A_77 : i32
    %scan3A_79 = arith.constant 1 : i32
    scf.for %scan3A_81 = %scan3A_76 to %scan3A_78 step %scan3A_79  : i32 {
      %mul3A_82 = arith.constant 16 : i32
      %mul3A_83 = arith.muli %scan3A_81, %mul3A_82 : i32
      %get3A = arith.constant 0 : i32
      %get3A_84 = arith.index_cast %get3A : i32 to index
      %get3A_85 = arith.index_cast %mul3A_83 : i32 to index
      %get3A_86 = tpu.vector_load %arg5[%get3A_84, %get3A_85] {strides = array<i32>} : memref<16x512xf32, #tpu.memory_space<vmem>>, vector<16xf32>,
      %get3A_87 = arith.constant 1 : i32
      %get3A_88 = arith.index_cast %get3A_87 : i32 to index
      %get3A_89 = arith.index_cast %mul3A_83 : i32 to index
      %get3A_90 = tpu.vector_load %arg5[%get3A_88, %get3A_89] {strides = array<i32>} : memref<16x512xf32, #tpu.memory_space<vmem>>, vector<16xf32>,
      %get3A_91 = arith.constant 2 : i32
      %get3A_92 = arith.index_cast %get3A_91 : i32 to index
      %get3A_93 = arith.index_cast %mul3A_83 : i32 to index
      %get3A_94 = tpu.vector_load %arg5[%get3A_92, %get3A_93] {strides = array<i32>} : memref<16x512xf32, #tpu.memory_space<vmem>>, vector<16xf32>,
      %get3A_95 = arith.constant 3 : i32
      %get3A_96 = arith.index_cast %get3A_95 : i32 to index
      %get3A_97 = arith.index_cast %mul3A_83 : i32 to index
      %get3A_98 = tpu.vector_load %arg5[%get3A_96, %get3A_97] {strides = array<i32>} : memref<16x512xf32, #tpu.memory_space<vmem>>, vector<16xf32>,
      %get3A_99 = arith.constant 4 : i32
      %get3A_100 = arith.index_cast %get3A_99 : i32 to index
      %get3A_101 = arith.index_cast %mul3A_83 : i32 to index
      %get3A_102 = tpu.vector_load %arg5[%get3A_100, %get3A_101] {strides = array<i32>} : memref<16x512xf32, #tpu.memory_space<vmem>>, vector<16xf32>,
      %get3A_103 = arith.constant 5 : i32
      %get3A_104 = arith.index_cast %get3A_103 : i32 to index
      %get3A_105 = arith.index_cast %mul3A_83 : i32 to index
      %get3A_106 = tpu.vector_load %arg5[%get3A_104, %get3A_105] {strides = array<i32>} : memref<16x512xf32, #tpu.memory_space<vmem>>, vector<16xf32>,
      %get3A_107 = arith.constant 6 : i32
      %get3A_108 = arith.index_cast %get3A_107 : i32 to index
      %get3A_109 = arith.index_cast %mul3A_83 : i32 to index
      %get3A_110 = tpu.vector_load %arg5[%get3A_108, %get3A_109] {strides = array<i32>} : memref<16x512xf32, #tpu.memory_space<vmem>>, vector<16xf32>,
      %get3A_111 = arith.constant 7 : i32
      %get3A_112 = arith.index_cast %get3A_111 : i32 to index
      %get3A_113 = arith.index_cast %mul3A_83 : i32 to index
      %get3A_114 = tpu.vector_load %arg5[%get3A_112, %get3A_113] {strides = array<i32>} : memref<16x512xf32, #tpu.memory_space<vmem>>, vector<16xf32>,
      %get3A_115 = arith.constant 8 : i32
      %get3A_116 = arith.index_cast %get3A_115 : i32 to index
      %get3A_117 = arith.index_cast %mul3A_83 : i32 to index
      %get3A_118 = tpu.vector_load %arg5[%get3A_116, %get3A_117] {strides = array<i32>} : memref<16x512xf32, #tpu.memory_space<vmem>>, vector<16xf32>,
      %get3A_119 = arith.constant 9 : i32
      %get3A_120 = arith.index_cast %get3A_119 : i32 to index
      %get3A_121 = arith.index_cast %mul3A_83 : i32 to index
      %get3A_122 = tpu.vector_load %arg5[%get3A_120, %get3A_121] {strides = array<i32>} : memref<16x512xf32, #tpu.memory_space<vmem>>, vector<16xf32>,
      %get3A_123 = arith.constant 10 : i32
      %get3A_124 = arith.index_cast %get3A_123 : i32 to index
      %get3A_125 = arith.index_cast %mul3A_83 : i32 to index
      %get3A_126 = tpu.vector_load %arg5[%get3A_124, %get3A_125] {strides = array<i32>} : memref<16x512xf32, #tpu.memory_space<vmem>>, vector<16xf32>,
      %get3A_127 = arith.constant 11 : i32
      %get3A_128 = arith.index_cast %get3A_127 : i32 to index
      %get3A_129 = arith.index_cast %mul3A_83 : i32 to index
      %get3A_130 = tpu.vector_load %arg5[%get3A_128, %get3A_129] {strides = array<i32>} : memref<16x512xf32, #tpu.memory_space<vmem>>, vector<16xf32>,
      %get3A_131 = arith.constant 12 : i32
      %get3A_132 = arith.index_cast %get3A_131 : i32 to index
      %get3A_133 = arith.index_cast %mul3A_83 : i32 to index
      %get3A_134 = tpu.vector_load %arg5[%get3A_132, %get3A_133] {strides = array<i32>} : memref<16x512xf32, #tpu.memory_space<vmem>>, vector<16xf32>,
      %get3A_135 = arith.constant 13 : i32
      %get3A_136 = arith.index_cast %get3A_135 : i32 to index
      %get3A_137 = arith.index_cast %mul3A_83 : i32 to index
      %get3A_138 = tpu.vector_load %arg5[%get3A_136, %get3A_137] {strides = array<i32>} : memref<16x512xf32, #tpu.memory_space<vmem>>, vector<16xf32>,
      %get3A_139 = arith.constant 14 : i32
      %get3A_140 = arith.index_cast %get3A_139 : i32 to index
      %get3A_141 = arith.index_cast %mul3A_83 : i32 to index
      %get3A_142 = tpu.vector_load %arg5[%get3A_140, %get3A_141] {strides = array<i32>} : memref<16x512xf32, #tpu.memory_space<vmem>>, vector<16xf32>,
      %get3A_143 = arith.constant 15 : i32
      %get3A_144 = arith.index_cast %get3A_143 : i32 to index
      %get3A_145 = arith.index_cast %mul3A_83 : i32 to index
      %get3A_146 = tpu.vector_load %arg5[%get3A_144, %get3A_145] {strides = array<i32>} : memref<16x512xf32, #tpu.memory_space<vmem>>, vector<16xf32>,
      %gt3A = arith.cmpf ogt, %get3A_90, %get3A_86 : vector<16xf32>
      %select_n3A = arith.select %gt3A, %get3A_90, %get3A_86 : vector<16xi1>, vector<16xf32>
      %select_n3A_147 = arith.select %gt3A, %broadcast_in_dim3A_9, %broadcast_in_dim3A_7 : vector<16xi1>, vector<16xi32>
      %gt3A_148 = arith.cmpf ogt, %get3A_94, %select_n3A : vector<16xf32>
      %select_n3A_149 = arith.select %gt3A_148, %get3A_94, %select_n3A : vector<16xi1>, vector<16xf32>
      %select_n3A_150 = arith.select %gt3A_148, %broadcast_in_dim3A_11, %select_n3A_147 : vector<16xi1>, vector<16xi32>
      %gt3A_151 = arith.cmpf ogt, %get3A_98, %select_n3A_149 : vector<16xf32>
      %select_n3A_152 = arith.select %gt3A_151, %get3A_98, %select_n3A_149 : vector<16xi1>, vector<16xf32>
      %select_n3A_153 = arith.select %gt3A_151, %broadcast_in_dim3A_13, %select_n3A_150 : vector<16xi1>, vector<16xi32>
      %gt3A_154 = arith.cmpf ogt, %get3A_102, %select_n3A_152 : vector<16xf32>
      %select_n3A_155 = arith.select %gt3A_154, %get3A_102, %select_n3A_152 : vector<16xi1>, vector<16xf32>
      %select_n3A_156 = arith.select %gt3A_154, %broadcast_in_dim3A_15, %select_n3A_153 : vector<16xi1>, vector<16xi32>
      %gt3A_157 = arith.cmpf ogt, %get3A_106, %select_n3A_155 : vector<16xf32>
      %select_n3A_158 = arith.select %gt3A_157, %get3A_106, %select_n3A_155 : vector<16xi1>, vector<16xf32>
      %select_n3A_159 = arith.select %gt3A_157, %broadcast_in_dim3A_17, %select_n3A_156 : vector<16xi1>, vector<16xi32>
      %gt3A_160 = arith.cmpf ogt, %get3A_110, %select_n3A_158 : vector<16xf32>
      %select_n3A_161 = arith.select %gt3A_160, %get3A_110, %select_n3A_158 : vector<16xi1>, vector<16xf32>
      %select_n3A_162 = arith.select %gt3A_160, %broadcast_in_dim3A_19, %select_n3A_159 : vector<16xi1>, vector<16xi32>
      %gt3A_163 = arith.cmpf ogt, %get3A_114, %select_n3A_161 : vector<16xf32>
      %select_n3A_164 = arith.select %gt3A_163, %get3A_114, %select_n3A_161 : vector<16xi1>, vector<16xf32>
      %select_n3A_165 = arith.select %gt3A_163, %broadcast_in_dim3A_21, %select_n3A_162 : vector<16xi1>, vector<16xi32>
      %gt3A_166 = arith.cmpf ogt, %get3A_118, %select_n3A_164 : vector<16xf32>
      %select_n3A_167 = arith.select %gt3A_166, %get3A_118, %select_n3A_164 : vector<16xi1>, vector<16xf32>
      %select_n3A_168 = arith.select %gt3A_166, %broadcast_in_dim3A_23, %select_n3A_165 : vector<16xi1>, vector<16xi32>
      %gt3A_169 = arith.cmpf ogt, %get3A_122, %select_n3A_167 : vector<16xf32>
      %select_n3A_170 = arith.select %gt3A_169, %get3A_122, %select_n3A_167 : vector<16xi1>, vector<16xf32>
      %select_n3A_171 = arith.select %gt3A_169, %broadcast_in_dim3A_25, %select_n3A_168 : vector<16xi1>, vector<16xi32>
      %gt3A_172 = arith.cmpf ogt, %get3A_126, %select_n3A_170 : vector<16xf32>
      %select_n3A_173 = arith.select %gt3A_172, %get3A_126, %select_n3A_170 : vector<16xi1>, vector<16xf32>
      %select_n3A_174 = arith.select %gt3A_172, %broadcast_in_dim3A_27, %select_n3A_171 : vector<16xi1>, vector<16xi32>
      %gt3A_175 = arith.cmpf ogt, %get3A_130, %select_n3A_173 : vector<16xf32>
      %select_n3A_176 = arith.select %gt3A_175, %get3A_130, %select_n3A_173 : vector<16xi1>, vector<16xf32>
      %select_n3A_177 = arith.select %gt3A_175, %broadcast_in_dim3A_29, %select_n3A_174 : vector<16xi1>, vector<16xi32>
      %gt3A_178 = arith.cmpf ogt, %get3A_134, %select_n3A_176 : vector<16xf32>
      %select_n3A_179 = arith.select %gt3A_178, %get3A_134, %select_n3A_176 : vector<16xi1>, vector<16xf32>
      %select_n3A_180 = arith.select %gt3A_178, %broadcast_in_dim3A_31, %select_n3A_177 : vector<16xi1>, vector<16xi32>
      %gt3A_181 = arith.cmpf ogt, %get3A_138, %select_n3A_179 : vector<16xf32>
      %select_n3A_182 = arith.select %gt3A_181, %get3A_138, %select_n3A_179 : vector<16xi1>, vector<16xf32>
      %select_n3A_183 = arith.select %gt3A_181, %broadcast_in_dim3A_33, %select_n3A_180 : vector<16xi1>, vector<16xi32>
      %gt3A_184 = arith.cmpf ogt, %get3A_142, %select_n3A_182 : vector<16xf32>
      %select_n3A_185 = arith.select %gt3A_184, %get3A_142, %select_n3A_182 : vector<16xi1>, vector<16xf32>
      %select_n3A_186 = arith.select %gt3A_184, %broadcast_in_dim3A_35, %select_n3A_183 : vector<16xi1>, vector<16xi32>
      %gt3A_187 = arith.cmpf ogt, %get3A_146, %select_n3A_185 : vector<16xf32>
      %select_n3A_188 = arith.select %gt3A_187, %get3A_146, %select_n3A_185 : vector<16xi1>, vector<16xf32>
      %select_n3A_189 = arith.select %gt3A_187, %broadcast_in_dim3A_37, %select_n3A_186 : vector<16xi1>, vector<16xi32>
      %eq3A = arith.cmpi eq, %select_n3A_189, %broadcast_in_dim3A_7 : vector<16xi32>
      %select_n3A_190 = arith.select %eq3A, %broadcast_in_dim3A_3, %get3A_86 : vector<16xi1>, vector<16xf32>
      %gt3A_191 = arith.cmpf ogt, %select_n3A_190, %broadcast_in_dim3A_3 : vector<16xf32>
      %select_n3A_192 = arith.select %gt3A_191, %select_n3A_190, %broadcast_in_dim3A_3 : vector<16xi1>, vector<16xf32>
      %select_n3A_193 = arith.select %gt3A_191, %broadcast_in_dim3A_7, %broadcast_in_dim3A_7 : vector<16xi1>, vector<16xi32>
      %eq3A_194 = arith.cmpi eq, %select_n3A_189, %broadcast_in_dim3A_9 : vector<16xi32>
      %select_n3A_195 = arith.select %eq3A_194, %broadcast_in_dim3A_3, %get3A_90 : vector<16xi1>, vector<16xf32>
      %gt3A_196 = arith.cmpf ogt, %select_n3A_195, %select_n3A_192 : vector<16xf32>
      %select_n3A_197 = arith.select %gt3A_196, %select_n3A_195, %select_n3A_192 : vector<16xi1>, vector<16xf32>
      %select_n3A_198 = arith.select %gt3A_196, %broadcast_in_dim3A_9, %select_n3A_193 : vector<16xi1>, vector<16xi32>
      %eq3A_199 = arith.cmpi eq, %select_n3A_189, %broadcast_in_dim3A_11 : vector<16xi32>
      %select_n3A_200 = arith.select %eq3A_199, %broadcast_in_dim3A_3, %get3A_94 : vector<16xi1>, vector<16xf32>
      %gt3A_201 = arith.cmpf ogt, %select_n3A_200, %select_n3A_197 : vector<16xf32>
      %select_n3A_202 = arith.select %gt3A_201, %select_n3A_200, %select_n3A_197 : vector<16xi1>, vector<16xf32>
      %select_n3A_203 = arith.select %gt3A_201, %broadcast_in_dim3A_11, %select_n3A_198 : vector<16xi1>, vector<16xi32>
      %eq3A_204 = arith.cmpi eq, %select_n3A_189, %broadcast_in_dim3A_13 : vector<16xi32>
      %select_n3A_205 = arith.select %eq3A_204, %broadcast_in_dim3A_3, %get3A_98 : vector<16xi1>, vector<16xf32>
      %gt3A_206 = arith.cmpf ogt, %select_n3A_205, %select_n3A_202 : vector<16xf32>
      %select_n3A_207 = arith.select %gt3A_206, %select_n3A_205, %select_n3A_202 : vector<16xi1>, vector<16xf32>
      %select_n3A_208 = arith.select %gt3A_206, %broadcast_in_dim3A_13, %select_n3A_203 : vector<16xi1>, vector<16xi32>
      %eq3A_209 = arith.cmpi eq, %select_n3A_189, %broadcast_in_dim3A_15 : vector<16xi32>
      %select_n3A_210 = arith.select %eq3A_209, %broadcast_in_dim3A_3, %get3A_102 : vector<16xi1>, vector<16xf32>
      %gt3A_211 = arith.cmpf ogt, %select_n3A_210, %select_n3A_207 : vector<16xf32>
      %select_n3A_212 = arith.select %gt3A_211, %select_n3A_210, %select_n3A_207 : vector<16xi1>, vector<16xf32>
      %select_n3A_213 = arith.select %gt3A_211, %broadcast_in_dim3A_15, %select_n3A_208 : vector<16xi1>, vector<16xi32>
      %eq3A_214 = arith.cmpi eq, %select_n3A_189, %broadcast_in_dim3A_17 : vector<16xi32>
      %select_n3A_215 = arith.select %eq3A_214, %broadcast_in_dim3A_3, %get3A_106 : vector<16xi1>, vector<16xf32>
      %gt3A_216 = arith.cmpf ogt, %select_n3A_215, %select_n3A_212 : vector<16xf32>
      %select_n3A_217 = arith.select %gt3A_216, %select_n3A_215, %select_n3A_212 : vector<16xi1>, vector<16xf32>
      %select_n3A_218 = arith.select %gt3A_216, %broadcast_in_dim3A_17, %select_n3A_213 : vector<16xi1>, vector<16xi32>
      %eq3A_219 = arith.cmpi eq, %select_n3A_189, %broadcast_in_dim3A_19 : vector<16xi32>
      %select_n3A_220 = arith.select %eq3A_219, %broadcast_in_dim3A_3, %get3A_110 : vector<16xi1>, vector<16xf32>
      %gt3A_221 = arith.cmpf ogt, %select_n3A_220, %select_n3A_217 : vector<16xf32>
      %select_n3A_222 = arith.select %gt3A_221, %select_n3A_220, %select_n3A_217 : vector<16xi1>, vector<16xf32>
      %select_n3A_223 = arith.select %gt3A_221, %broadcast_in_dim3A_19, %select_n3A_218 : vector<16xi1>, vector<16xi32>
      %eq3A_224 = arith.cmpi eq, %select_n3A_189, %broadcast_in_dim3A_21 : vector<16xi32>
      %select_n3A_225 = arith.select %eq3A_224, %broadcast_in_dim3A_3, %get3A_114 : vector<16xi1>, vector<16xf32>
      %gt3A_226 = arith.cmpf ogt, %select_n3A_225, %select_n3A_222 : vector<16xf32>
      %select_n3A_227 = arith.select %gt3A_226, %select_n3A_225, %select_n3A_222 : vector<16xi1>, vector<16xf32>
      %select_n3A_228 = arith.select %gt3A_226, %broadcast_in_dim3A_21, %select_n3A_223 : vector<16xi1>, vector<16xi32>
      %eq3A_229 = arith.cmpi eq, %select_n3A_189, %broadcast_in_dim3A_23 : vector<16xi32>
      %select_n3A_230 = arith.select %eq3A_229, %broadcast_in_dim3A_3, %get3A_118 : vector<16xi1>, vector<16xf32>
      %gt3A_231 = arith.cmpf ogt, %select_n3A_230, %select_n3A_227 : vector<16xf32>
      %select_n3A_232 = arith.select %gt3A_231, %select_n3A_230, %select_n3A_227 : vector<16xi1>, vector<16xf32>
      %select_n3A_233 = arith.select %gt3A_231, %broadcast_in_dim3A_23, %select_n3A_228 : vector<16xi1>, vector<16xi32>
      %eq3A_234 = arith.cmpi eq, %select_n3A_189, %broadcast_in_dim3A_25 : vector<16xi32>
      %select_n3A_235 = arith.select %eq3A_234, %broadcast_in_dim3A_3, %get3A_122 : vector<16xi1>, vector<16xf32>
      %gt3A_236 = arith.cmpf ogt, %select_n3A_235, %select_n3A_232 : vector<16xf32>
      %select_n3A_237 = arith.select %gt3A_236, %select_n3A_235, %select_n3A_232 : vector<16xi1>, vector<16xf32>
      %select_n3A_238 = arith.select %gt3A_236, %broadcast_in_dim3A_25, %select_n3A_233 : vector<16xi1>, vector<16xi32>
      %eq3A_239 = arith.cmpi eq, %select_n3A_189, %broadcast_in_dim3A_27 : vector<16xi32>
      %select_n3A_240 = arith.select %eq3A_239, %broadcast_in_dim3A_3, %get3A_126 : vector<16xi1>, vector<16xf32>
      %gt3A_241 = arith.cmpf ogt, %select_n3A_240, %select_n3A_237 : vector<16xf32>
      %select_n3A_242 = arith.select %gt3A_241, %select_n3A_240, %select_n3A_237 : vector<16xi1>, vector<16xf32>
      %select_n3A_243 = arith.select %gt3A_241, %broadcast_in_dim3A_27, %select_n3A_238 : vector<16xi1>, vector<16xi32>
      %eq3A_244 = arith.cmpi eq, %select_n3A_189, %broadcast_in_dim3A_29 : vector<16xi32>
      %select_n3A_245 = arith.select %eq3A_244, %broadcast_in_dim3A_3, %get3A_130 : vector<16xi1>, vector<16xf32>
      %gt3A_246 = arith.cmpf ogt, %select_n3A_245, %select_n3A_242 : vector<16xf32>
      %select_n3A_247 = arith.select %gt3A_246, %select_n3A_245, %select_n3A_242 : vector<16xi1>, vector<16xf32>
      %select_n3A_248 = arith.select %gt3A_246, %broadcast_in_dim3A_29, %select_n3A_243 : vector<16xi1>, vector<16xi32>
      %eq3A_249 = arith.cmpi eq, %select_n3A_189, %broadcast_in_dim3A_31 : vector<16xi32>
      %select_n3A_250 = arith.select %eq3A_249, %broadcast_in_dim3A_3, %get3A_134 : vector<16xi1>, vector<16xf32>
      %gt3A_251 = arith.cmpf ogt, %select_n3A_250, %select_n3A_247 : vector<16xf32>
      %select_n3A_252 = arith.select %gt3A_251, %select_n3A_250, %select_n3A_247 : vector<16xi1>, vector<16xf32>
      %select_n3A_253 = arith.select %gt3A_251, %broadcast_in_dim3A_31, %select_n3A_248 : vector<16xi1>, vector<16xi32>
      %eq3A_254 = arith.cmpi eq, %select_n3A_189, %broadcast_in_dim3A_33 : vector<16xi32>
      %select_n3A_255 = arith.select %eq3A_254, %broadcast_in_dim3A_3, %get3A_138 : vector<16xi1>, vector<16xf32>
      %gt3A_256 = arith.cmpf ogt, %select_n3A_255, %select_n3A_252 : vector<16xf32>
      %select_n3A_257 = arith.select %gt3A_256, %select_n3A_255, %select_n3A_252 : vector<16xi1>, vector<16xf32>
      %select_n3A_258 = arith.select %gt3A_256, %broadcast_in_dim3A_33, %select_n3A_253 : vector<16xi1>, vector<16xi32>
      %eq3A_259 = arith.cmpi eq, %select_n3A_189, %broadcast_in_dim3A_35 : vector<16xi32>
      %select_n3A_260 = arith.select %eq3A_259, %broadcast_in_dim3A_3, %get3A_142 : vector<16xi1>, vector<16xf32>
      %gt3A_261 = arith.cmpf ogt, %select_n3A_260, %select_n3A_257 : vector<16xf32>
      %select_n3A_262 = arith.select %gt3A_261, %select_n3A_260, %select_n3A_257 : vector<16xi1>, vector<16xf32>
      %select_n3A_263 = arith.select %gt3A_261, %broadcast_in_dim3A_35, %select_n3A_258 : vector<16xi1>, vector<16xi32>
      %eq3A_264 = arith.cmpi eq, %select_n3A_189, %broadcast_in_dim3A_37 : vector<16xi32>
      %select_n3A_265 = arith.select %eq3A_264, %broadcast_in_dim3A_3, %get3A_146 : vector<16xi1>, vector<16xf32>
      %gt3A_266 = arith.cmpf ogt, %select_n3A_265, %select_n3A_262 : vector<16xf32>
      %select_n3A_267 = arith.select %gt3A_266, %select_n3A_265, %select_n3A_262 : vector<16xi1>, vector<16xf32>
      %select_n3A_268 = arith.select %gt3A_266, %broadcast_in_dim3A_37, %select_n3A_263 : vector<16xi1>, vector<16xi32>
      %sub3A = arith.subf %select_n3A_267, %select_n3A_188 : vector<16xf32>
      %exp3A = math.exp %sub3A : vector<16xf32>
      %add3A_269 = arith.constant 1.000000e+00 : f32
      %add3A_270 = vector.broadcast %add3A_269 : f32 to vector<16xf32>
      %add3A_271 = arith.addf %add3A_270, %exp3A : vector<16xf32>
      %div3A = arith.constant 1.000000e+00 : f32
      %div3A_272 = vector.broadcast %div3A : f32 to vector<16xf32>
      %div3A_273 = arith.divf %div3A_272, %add3A_271 : vector<16xf32>
      %mul3A_274 = arith.mulf %exp3A, %div3A_273 : vector<16xf32>
      %eq3A_275 = arith.cmpi eq, %select_n3A_189, %broadcast_in_dim3A_7 : vector<16xi32>
      %eq3A_276 = arith.cmpi eq, %select_n3A_268, %broadcast_in_dim3A_7 : vector<16xi32>
      %select_n3A_277 = arith.select %eq3A_276, %mul3A_274, %broadcast_in_dim3A_5 : vector<16xi1>, vector<16xf32>
      %select_n3A_278 = arith.select %eq3A_275, %div3A_273, %select_n3A_277 : vector<16xi1>, vector<16xf32>
      %swap3A = arith.constant 0 : i32
      %swap3A_279 = arith.index_cast %swap3A : i32 to index
      %swap3A_280 = arith.index_cast %mul3A_83 : i32 to index
      %swap3A_281 = tpu.vector_load %arg6[%swap3A_279, %swap3A_280] {strides = array<i32>} : memref<16x512xf32, #tpu.memory_space<vmem>>, vector<16xf32>,
      tpu.vector_store %arg6[%swap3A_279, %swap3A_280], %select_n3A_278 {strides = array<i32>} : memref<16x512xf32, #tpu.memory_space<vmem>>, vector<16xf32>,
      %eq3A_282 = arith.cmpi eq, %select_n3A_189, %broadcast_in_dim3A_9 : vector<16xi32>
      %eq3A_283 = arith.cmpi eq, %select_n3A_268, %broadcast_in_dim3A_9 : vector<16xi32>
      %select_n3A_284 = arith.select %eq3A_283, %mul3A_274, %broadcast_in_dim3A_5 : vector<16xi1>, vector<16xf32>
      %select_n3A_285 = arith.select %eq3A_282, %div3A_273, %select_n3A_284 : vector<16xi1>, vector<16xf32>
      %swap3A_286 = arith.constant 1 : i32
      %swap3A_287 = arith.index_cast %swap3A_286 : i32 to index
      %swap3A_288 = arith.index_cast %mul3A_83 : i32 to index
      %swap3A_289 = tpu.vector_load %arg6[%swap3A_287, %swap3A_288] {strides = array<i32>} : memref<16x512xf32, #tpu.memory_space<vmem>>, vector<16xf32>,
      tpu.vector_store %arg6[%swap3A_287, %swap3A_288], %select_n3A_285 {strides = array<i32>} : memref<16x512xf32, #tpu.memory_space<vmem>>, vector<16xf32>,
      %eq3A_290 = arith.cmpi eq, %select_n3A_189, %broadcast_in_dim3A_11 : vector<16xi32>
      %eq3A_291 = arith.cmpi eq, %select_n3A_268, %broadcast_in_dim3A_11 : vector<16xi32>
      %select_n3A_292 = arith.select %eq3A_291, %mul3A_274, %broadcast_in_dim3A_5 : vector<16xi1>, vector<16xf32>
      %select_n3A_293 = arith.select %eq3A_290, %div3A_273, %select_n3A_292 : vector<16xi1>, vector<16xf32>
      %swap3A_294 = arith.constant 2 : i32
      %swap3A_295 = arith.index_cast %swap3A_294 : i32 to index
      %swap3A_296 = arith.index_cast %mul3A_83 : i32 to index
      %swap3A_297 = tpu.vector_load %arg6[%swap3A_295, %swap3A_296] {strides = array<i32>} : memref<16x512xf32, #tpu.memory_space<vmem>>, vector<16xf32>,
      tpu.vector_store %arg6[%swap3A_295, %swap3A_296], %select_n3A_293 {strides = array<i32>} : memref<16x512xf32, #tpu.memory_space<vmem>>, vector<16xf32>,
      %eq3A_298 = arith.cmpi eq, %select_n3A_189, %broadcast_in_dim3A_13 : vector<16xi32>
      %eq3A_299 = arith.cmpi eq, %select_n3A_268, %broadcast_in_dim3A_13 : vector<16xi32>
      %select_n3A_300 = arith.select %eq3A_299, %mul3A_274, %broadcast_in_dim3A_5 : vector<16xi1>, vector<16xf32>
      %select_n3A_301 = arith.select %eq3A_298, %div3A_273, %select_n3A_300 : vector<16xi1>, vector<16xf32>
      %swap3A_302 = arith.constant 3 : i32
      %swap3A_303 = arith.index_cast %swap3A_302 : i32 to index
      %swap3A_304 = arith.index_cast %mul3A_83 : i32 to index
      %swap3A_305 = tpu.vector_load %arg6[%swap3A_303, %swap3A_304] {strides = array<i32>} : memref<16x512xf32, #tpu.memory_space<vmem>>, vector<16xf32>,
      tpu.vector_store %arg6[%swap3A_303, %swap3A_304], %select_n3A_301 {strides = array<i32>} : memref<16x512xf32, #tpu.memory_space<vmem>>, vector<16xf32>,
      %eq3A_306 = arith.cmpi eq, %select_n3A_189, %broadcast_in_dim3A_15 : vector<16xi32>
      %eq3A_307 = arith.cmpi eq, %select_n3A_268, %broadcast_in_dim3A_15 : vector<16xi32>
      %select_n3A_308 = arith.select %eq3A_307, %mul3A_274, %broadcast_in_dim3A_5 : vector<16xi1>, vector<16xf32>
      %select_n3A_309 = arith.select %eq3A_306, %div3A_273, %select_n3A_308 : vector<16xi1>, vector<16xf32>
      %swap3A_310 = arith.constant 4 : i32
      %swap3A_311 = arith.index_cast %swap3A_310 : i32 to index
      %swap3A_312 = arith.index_cast %mul3A_83 : i32 to index
      %swap3A_313 = tpu.vector_load %arg6[%swap3A_311, %swap3A_312] {strides = array<i32>} : memref<16x512xf32, #tpu.memory_space<vmem>>, vector<16xf32>,
      tpu.vector_store %arg6[%swap3A_311, %swap3A_312], %select_n3A_309 {strides = array<i32>} : memref<16x512xf32, #tpu.memory_space<vmem>>, vector<16xf32>,
      %eq3A_314 = arith.cmpi eq, %select_n3A_189, %broadcast_in_dim3A_17 : vector<16xi32>
      %eq3A_315 = arith.cmpi eq, %select_n3A_268, %broadcast_in_dim3A_17 : vector<16xi32>
      %select_n3A_316 = arith.select %eq3A_315, %mul3A_274, %broadcast_in_dim3A_5 : vector<16xi1>, vector<16xf32>
      %select_n3A_317 = arith.select %eq3A_314, %div3A_273, %select_n3A_316 : vector<16xi1>, vector<16xf32>
      %swap3A_318 = arith.constant 5 : i32
      %swap3A_319 = arith.index_cast %swap3A_318 : i32 to index
      %swap3A_320 = arith.index_cast %mul3A_83 : i32 to index
      %swap3A_321 = tpu.vector_load %arg6[%swap3A_319, %swap3A_320] {strides = array<i32>} : memref<16x512xf32, #tpu.memory_space<vmem>>, vector<16xf32>,
      tpu.vector_store %arg6[%swap3A_319, %swap3A_320], %select_n3A_317 {strides = array<i32>} : memref<16x512xf32, #tpu.memory_space<vmem>>, vector<16xf32>,
      %eq3A_322 = arith.cmpi eq, %select_n3A_189, %broadcast_in_dim3A_19 : vector<16xi32>
      %eq3A_323 = arith.cmpi eq, %select_n3A_268, %broadcast_in_dim3A_19 : vector<16xi32>
      %select_n3A_324 = arith.select %eq3A_323, %mul3A_274, %broadcast_in_dim3A_5 : vector<16xi1>, vector<16xf32>
      %select_n3A_325 = arith.select %eq3A_322, %div3A_273, %select_n3A_324 : vector<16xi1>, vector<16xf32>
      %swap3A_326 = arith.constant 6 : i32
      %swap3A_327 = arith.index_cast %swap3A_326 : i32 to index
      %swap3A_328 = arith.index_cast %mul3A_83 : i32 to index
      %swap3A_329 = tpu.vector_load %arg6[%swap3A_327, %swap3A_328] {strides = array<i32>} : memref<16x512xf32, #tpu.memory_space<vmem>>, vector<16xf32>,
      tpu.vector_store %arg6[%swap3A_327, %swap3A_328], %select_n3A_325 {strides = array<i32>} : memref<16x512xf32, #tpu.memory_space<vmem>>, vector<16xf32>,
      %eq3A_330 = arith.cmpi eq, %select_n3A_189, %broadcast_in_dim3A_21 : vector<16xi32>
      %eq3A_331 = arith.cmpi eq, %select_n3A_268, %broadcast_in_dim3A_21 : vector<16xi32>
      %select_n3A_332 = arith.select %eq3A_331, %mul3A_274, %broadcast_in_dim3A_5 : vector<16xi1>, vector<16xf32>
      %select_n3A_333 = arith.select %eq3A_330, %div3A_273, %select_n3A_332 : vector<16xi1>, vector<16xf32>
      %swap3A_334 = arith.constant 7 : i32
      %swap3A_335 = arith.index_cast %swap3A_334 : i32 to index
      %swap3A_336 = arith.index_cast %mul3A_83 : i32 to index
      %swap3A_337 = tpu.vector_load %arg6[%swap3A_335, %swap3A_336] {strides = array<i32>} : memref<16x512xf32, #tpu.memory_space<vmem>>, vector<16xf32>,
      tpu.vector_store %arg6[%swap3A_335, %swap3A_336], %select_n3A_333 {strides = array<i32>} : memref<16x512xf32, #tpu.memory_space<vmem>>, vector<16xf32>,
      %eq3A_338 = arith.cmpi eq, %select_n3A_189, %broadcast_in_dim3A_23 : vector<16xi32>
      %eq3A_339 = arith.cmpi eq, %select_n3A_268, %broadcast_in_dim3A_23 : vector<16xi32>
      %select_n3A_340 = arith.select %eq3A_339, %mul3A_274, %broadcast_in_dim3A_5 : vector<16xi1>, vector<16xf32>
      %select_n3A_341 = arith.select %eq3A_338, %div3A_273, %select_n3A_340 : vector<16xi1>, vector<16xf32>
      %swap3A_342 = arith.constant 8 : i32
      %swap3A_343 = arith.index_cast %swap3A_342 : i32 to index
      %swap3A_344 = arith.index_cast %mul3A_83 : i32 to index
      %swap3A_345 = tpu.vector_load %arg6[%swap3A_343, %swap3A_344] {strides = array<i32>} : memref<16x512xf32, #tpu.memory_space<vmem>>, vector<16xf32>,
      tpu.vector_store %arg6[%swap3A_343, %swap3A_344], %select_n3A_341 {strides = array<i32>} : memref<16x512xf32, #tpu.memory_space<vmem>>, vector<16xf32>,
      %eq3A_346 = arith.cmpi eq, %select_n3A_189, %broadcast_in_dim3A_25 : vector<16xi32>
      %eq3A_347 = arith.cmpi eq, %select_n3A_268, %broadcast_in_dim3A_25 : vector<16xi32>
      %select_n3A_348 = arith.select %eq3A_347, %mul3A_274, %broadcast_in_dim3A_5 : vector<16xi1>, vector<16xf32>
      %select_n3A_349 = arith.select %eq3A_346, %div3A_273, %select_n3A_348 : vector<16xi1>, vector<16xf32>
      %swap3A_350 = arith.constant 9 : i32
      %swap3A_351 = arith.index_cast %swap3A_350 : i32 to index
      %swap3A_352 = arith.index_cast %mul3A_83 : i32 to index
      %swap3A_353 = tpu.vector_load %arg6[%swap3A_351, %swap3A_352] {strides = array<i32>} : memref<16x512xf32, #tpu.memory_space<vmem>>, vector<16xf32>,
      tpu.vector_store %arg6[%swap3A_351, %swap3A_352], %select_n3A_349 {strides = array<i32>} : memref<16x512xf32, #tpu.memory_space<vmem>>, vector<16xf32>,
      %eq3A_354 = arith.cmpi eq, %select_n3A_189, %broadcast_in_dim3A_27 : vector<16xi32>
      %eq3A_355 = arith.cmpi eq, %select_n3A_268, %broadcast_in_dim3A_27 : vector<16xi32>
      %select_n3A_356 = arith.select %eq3A_355, %mul3A_274, %broadcast_in_dim3A_5 : vector<16xi1>, vector<16xf32>
      %select_n3A_357 = arith.select %eq3A_354, %div3A_273, %select_n3A_356 : vector<16xi1>, vector<16xf32>
      %swap3A_358 = arith.constant 10 : i32
      %swap3A_359 = arith.index_cast %swap3A_358 : i32 to index
      %swap3A_360 = arith.index_cast %mul3A_83 : i32 to index
      %swap3A_361 = tpu.vector_load %arg6[%swap3A_359, %swap3A_360] {strides = array<i32>} : memref<16x512xf32, #tpu.memory_space<vmem>>, vector<16xf32>,
      tpu.vector_store %arg6[%swap3A_359, %swap3A_360], %select_n3A_357 {strides = array<i32>} : memref<16x512xf32, #tpu.memory_space<vmem>>, vector<16xf32>,
      %eq3A_362 = arith.cmpi eq, %select_n3A_189, %broadcast_in_dim3A_29 : vector<16xi32>
      %eq3A_363 = arith.cmpi eq, %select_n3A_268, %broadcast_in_dim3A_29 : vector<16xi32>
      %select_n3A_364 = arith.select %eq3A_363, %mul3A_274, %broadcast_in_dim3A_5 : vector<16xi1>, vector<16xf32>
      %select_n3A_365 = arith.select %eq3A_362, %div3A_273, %select_n3A_364 : vector<16xi1>, vector<16xf32>
      %swap3A_366 = arith.constant 11 : i32
      %swap3A_367 = arith.index_cast %swap3A_366 : i32 to index
      %swap3A_368 = arith.index_cast %mul3A_83 : i32 to index
      %swap3A_369 = tpu.vector_load %arg6[%swap3A_367, %swap3A_368] {strides = array<i32>} : memref<16x512xf32, #tpu.memory_space<vmem>>, vector<16xf32>,
      tpu.vector_store %arg6[%swap3A_367, %swap3A_368], %select_n3A_365 {strides = array<i32>} : memref<16x512xf32, #tpu.memory_space<vmem>>, vector<16xf32>,
      %eq3A_370 = arith.cmpi eq, %select_n3A_189, %broadcast_in_dim3A_31 : vector<16xi32>
      %eq3A_371 = arith.cmpi eq, %select_n3A_268, %broadcast_in_dim3A_31 : vector<16xi32>
      %select_n3A_372 = arith.select %eq3A_371, %mul3A_274, %broadcast_in_dim3A_5 : vector<16xi1>, vector<16xf32>
      %select_n3A_373 = arith.select %eq3A_370, %div3A_273, %select_n3A_372 : vector<16xi1>, vector<16xf32>
      %swap3A_374 = arith.constant 12 : i32
      %swap3A_375 = arith.index_cast %swap3A_374 : i32 to index
      %swap3A_376 = arith.index_cast %mul3A_83 : i32 to index
      %swap3A_377 = tpu.vector_load %arg6[%swap3A_375, %swap3A_376] {strides = array<i32>} : memref<16x512xf32, #tpu.memory_space<vmem>>, vector<16xf32>,
      tpu.vector_store %arg6[%swap3A_375, %swap3A_376], %select_n3A_373 {strides = array<i32>} : memref<16x512xf32, #tpu.memory_space<vmem>>, vector<16xf32>,
      %eq3A_378 = arith.cmpi eq, %select_n3A_189, %broadcast_in_dim3A_33 : vector<16xi32>
      %eq3A_379 = arith.cmpi eq, %select_n3A_268, %broadcast_in_dim3A_33 : vector<16xi32>
      %select_n3A_380 = arith.select %eq3A_379, %mul3A_274, %broadcast_in_dim3A_5 : vector<16xi1>, vector<16xf32>
      %select_n3A_381 = arith.select %eq3A_378, %div3A_273, %select_n3A_380 : vector<16xi1>, vector<16xf32>
      %swap3A_382 = arith.constant 13 : i32
      %swap3A_383 = arith.index_cast %swap3A_382 : i32 to index
      %swap3A_384 = arith.index_cast %mul3A_83 : i32 to index
      %swap3A_385 = tpu.vector_load %arg6[%swap3A_383, %swap3A_384] {strides = array<i32>} : memref<16x512xf32, #tpu.memory_space<vmem>>, vector<16xf32>,
      tpu.vector_store %arg6[%swap3A_383, %swap3A_384], %select_n3A_381 {strides = array<i32>} : memref<16x512xf32, #tpu.memory_space<vmem>>, vector<16xf32>,
      %eq3A_386 = arith.cmpi eq, %select_n3A_189, %broadcast_in_dim3A_35 : vector<16xi32>
      %eq3A_387 = arith.cmpi eq, %select_n3A_268, %broadcast_in_dim3A_35 : vector<16xi32>
      %select_n3A_388 = arith.select %eq3A_387, %mul3A_274, %broadcast_in_dim3A_5 : vector<16xi1>, vector<16xf32>
      %select_n3A_389 = arith.select %eq3A_386, %div3A_273, %select_n3A_388 : vector<16xi1>, vector<16xf32>
      %swap3A_390 = arith.constant 14 : i32
      %swap3A_391 = arith.index_cast %swap3A_390 : i32 to index
      %swap3A_392 = arith.index_cast %mul3A_83 : i32 to index
      %swap3A_393 = tpu.vector_load %arg6[%swap3A_391, %swap3A_392] {strides = array<i32>} : memref<16x512xf32, #tpu.memory_space<vmem>>, vector<16xf32>,
      tpu.vector_store %arg6[%swap3A_391, %swap3A_392], %select_n3A_389 {strides = array<i32>} : memref<16x512xf32, #tpu.memory_space<vmem>>, vector<16xf32>,
      %eq3A_394 = arith.cmpi eq, %select_n3A_189, %broadcast_in_dim3A_37 : vector<16xi32>
      %eq3A_395 = arith.cmpi eq, %select_n3A_268, %broadcast_in_dim3A_37 : vector<16xi32>
      %select_n3A_396 = arith.select %eq3A_395, %mul3A_274, %broadcast_in_dim3A_5 : vector<16xi1>, vector<16xf32>
      %select_n3A_397 = arith.select %eq3A_394, %div3A_273, %select_n3A_396 : vector<16xi1>, vector<16xf32>
      %swap3A_398 = arith.constant 15 : i32
      %swap3A_399 = arith.index_cast %swap3A_398 : i32 to index
      %swap3A_400 = arith.index_cast %mul3A_83 : i32 to index
      %swap3A_401 = tpu.vector_load %arg6[%swap3A_399, %swap3A_400] {strides = array<i32>} : memref<16x512xf32, #tpu.memory_space<vmem>>, vector<16xf32>,
      tpu.vector_store %arg6[%swap3A_399, %swap3A_400], %select_n3A_397 {strides = array<i32>} : memref<16x512xf32, #tpu.memory_space<vmem>>, vector<16xf32>,
      %swap3A_402 = arith.constant 0 : i32
      %swap3A_403 = arith.index_cast %swap3A_402 : i32 to index
      %swap3A_404 = arith.index_cast %mul3A_83 : i32 to index
      %swap3A_405 = tpu.vector_load %arg7[%swap3A_403, %swap3A_404] {strides = array<i32>} : memref<2x512xi32, #tpu.memory_space<vmem>>, vector<16xi32>,
      tpu.vector_store %arg7[%swap3A_403, %swap3A_404], %select_n3A_189 {strides = array<i32>} : memref<2x512xi32, #tpu.memory_space<vmem>>, vector<16xi32>,
      %swap3A_406 = arith.constant 1 : i32
      %swap3A_407 = arith.index_cast %swap3A_406 : i32 to index
      %swap3A_408 = arith.index_cast %mul3A_83 : i32 to index
      %swap3A_409 = tpu.vector_load %arg7[%swap3A_407, %swap3A_408] {strides = array<i32>} : memref<2x512xi32, #tpu.memory_space<vmem>>, vector<16xi32>,
      tpu.vector_store %arg7[%swap3A_407, %swap3A_408], %select_n3A_268 {strides = array<i32>} : memref<2x512xi32, #tpu.memory_space<vmem>>, vector<16xi32>,
    }
    %scan3A_80 = arith.constant 32 : i32
    "tpu.region"() ({
      %run_scoped3A = tpu.sem_alloc : memref<!tpu.dma_semaphore, #tpu.memory_space<semaphore_mem>>
      %dma_start3A_81 = arith.constant 0 : i32
      %dma_start3A_82 = arith.constant 0 : i32
      %dma_start3A_83 = tpu.memref_slice %arg6[%dma_start3A_81, %dma_start3A_82] : memref<16x512xf32, #tpu.memory_space<vmem>> -> memref<8x512xf32, #tpu.memory_space<vmem>>
      %dma_start3A_84 = arith.constant 0 : i32
      %dma_start3A_85 = tpu.memref_slice %arg3[%dma_start3A_84, %mul3A_2] : memref<16x16384xf32, #tpu.memory_space<hbm>> -> memref<8x512xf32, #tpu.memory_space<hbm>>
      %dma_start3A_86 = arith.constant 0 : i32
      %dma_start3A_87 = tpu.memref_slice %arg3[%dma_start3A_86, %mul3A_2] : memref<16x16384xf32, #tpu.memory_space<hbm>> -> memref<8x512xf32, #tpu.memory_space<hbm>>
      %dma_start3A_88 = arith.constant 0 : i32
      %dma_start3A_89 = arith.constant 0 : i32
      %dma_start3A_90 = tpu.memref_slice %arg6[%dma_start3A_88, %dma_start3A_89] : memref<16x512xf32, #tpu.memory_space<vmem>> -> memref<8x512xf32, #tpu.memory_space<vmem>>
      tpu.enqueue_dma source(%dma_start3A_90 : memref<8x512xf32, #tpu.memory_space<vmem>>) target(%dma_start3A_87 : memref<8x512xf32, #tpu.memory_space<hbm>>) target_semaphore(%run_scoped3A : memref<!tpu.dma_semaphore, #tpu.memory_space<semaphore_mem>>)
      %dma_wait3A_91 = arith.constant 0 : i32
      %dma_wait3A_92 = arith.constant 0 : i32
      %dma_wait3A_93 = tpu.memref_slice %arg6[%dma_wait3A_91, %dma_wait3A_92] : memref<16x512xf32, #tpu.memory_space<vmem>> -> memref<8x512xf32, #tpu.memory_space<vmem>>
      %dma_wait3A_94 = arith.constant 0 : i32
      %dma_wait3A_95 = tpu.memref_slice %arg3[%dma_wait3A_94, %mul3A_2] : memref<16x16384xf32, #tpu.memory_space<hbm>> -> memref<8x512xf32, #tpu.memory_space<hbm>>
      %dma_wait3A_96 = arith.constant 0 : i32
      %dma_wait3A_97 = tpu.memref_slice %arg3[%dma_wait3A_96, %mul3A_2] : memref<16x16384xf32, #tpu.memory_space<hbm>> -> memref<8x512xf32, #tpu.memory_space<hbm>>
      %dma_wait3A_98 = arith.constant 0 : i32
      %dma_wait3A_99 = arith.constant 0 : i32
      %dma_wait3A_100 = tpu.memref_slice %arg6[%dma_wait3A_98, %dma_wait3A_99] : memref<16x512xf32, #tpu.memory_space<vmem>> -> memref<8x512xf32, #tpu.memory_space<vmem>>
      tpu.wait_dma2 semaphore(%run_scoped3A : memref<!tpu.dma_semaphore, #tpu.memory_space<semaphore_mem>>) src(%dma_wait3A_100 : memref<8x512xf32, #tpu.memory_space<vmem>>) dst(%dma_wait3A_97 : memref<8x512xf32, #tpu.memory_space<hbm>>)
      tpu.yield
    }) : () -> ()
    "tpu.region"() ({
      %run_scoped3A = tpu.sem_alloc : memref<!tpu.dma_semaphore, #tpu.memory_space<semaphore_mem>>
      %dma_start3A_81 = arith.constant 8 : i32
      %dma_start3A_82 = arith.constant 0 : i32
      %dma_start3A_83 = tpu.memref_slice %arg6[%dma_start3A_81, %dma_start3A_82] : memref<16x512xf32, #tpu.memory_space<vmem>> -> memref<8x512xf32, #tpu.memory_space<vmem>>
      %dma_start3A_84 = arith.constant 8 : i32
      %dma_start3A_85 = tpu.memref_slice %arg3[%dma_start3A_84, %mul3A_2] : memref<16x16384xf32, #tpu.memory_space<hbm>> -> memref<8x512xf32, #tpu.memory_space<hbm>>
      %dma_start3A_86 = arith.constant 8 : i32
      %dma_start3A_87 = tpu.memref_slice %arg3[%dma_start3A_86, %mul3A_2] : memref<16x16384xf32, #tpu.memory_space<hbm>> -> memref<8x512xf32, #tpu.memory_space<hbm>>
      %dma_start3A_88 = arith.constant 8 : i32
      %dma_start3A_89 = arith.constant 0 : i32
      %dma_start3A_90 = tpu.memref_slice %arg6[%dma_start3A_88, %dma_start3A_89] : memref<16x512xf32, #tpu.memory_space<vmem>> -> memref<8x512xf32, #tpu.memory_space<vmem>>
      tpu.enqueue_dma source(%dma_start3A_90 : memref<8x512xf32, #tpu.memory_space<vmem>>) target(%dma_start3A_87 : memref<8x512xf32, #tpu.memory_space<hbm>>) target_semaphore(%run_scoped3A : memref<!tpu.dma_semaphore, #tpu.memory_space<semaphore_mem>>)
      %dma_wait3A_91 = arith.constant 8 : i32
      %dma_wait3A_92 = arith.constant 0 : i32
      %dma_wait3A_93 = tpu.memref_slice %arg6[%dma_wait3A_91, %dma_wait3A_92] : memref<16x512xf32, #tpu.memory_space<vmem>> -> memref<8x512xf32, #tpu.memory_space<vmem>>
      %dma_wait3A_94 = arith.constant 8 : i32
      %dma_wait3A_95 = tpu.memref_slice %arg3[%dma_wait3A_94, %mul3A_2] : memref<16x16384xf32, #tpu.memory_space<hbm>> -> memref<8x512xf32, #tpu.memory_space<hbm>>
      %dma_wait3A_96 = arith.constant 8 : i32
      %dma_wait3A_97 = tpu.memref_slice %arg3[%dma_wait3A_96, %mul3A_2] : memref<16x16384xf32, #tpu.memory_space<hbm>> -> memref<8x512xf32, #tpu.memory_space<hbm>>
      %dma_wait3A_98 = arith.constant 8 : i32
      %dma_wait3A_99 = arith.constant 0 : i32
      %dma_wait3A_100 = tpu.memref_slice %arg6[%dma_wait3A_98, %dma_wait3A_99] : memref<16x512xf32, #tpu.memory_space<vmem>> -> memref<8x512xf32, #tpu.memory_space<vmem>>
      tpu.wait_dma2 semaphore(%run_scoped3A : memref<!tpu.dma_semaphore, #tpu.memory_space<semaphore_mem>>) src(%dma_wait3A_100 : memref<8x512xf32, #tpu.memory_space<vmem>>) dst(%dma_wait3A_97 : memref<8x512xf32, #tpu.memory_space<hbm>>)
      tpu.yield
    }) : () -> ()
    "tpu.region"() ({
      %run_scoped3A = tpu.sem_alloc : memref<!tpu.dma_semaphore, #tpu.memory_space<semaphore_mem>>
      %dma_start3A_81 = arith.constant 0 : i32
      %dma_start3A_82 = tpu.memref_slice %arg4[%dma_start3A_81, %mul3A_2] : memref<2x16384xi32, #tpu.memory_space<hbm>> -> memref<2x512xi32, #tpu.memory_space<hbm>>
      %dma_start3A_83 = arith.constant 0 : i32
      %dma_start3A_84 = tpu.memref_slice %arg4[%dma_start3A_83, %mul3A_2] : memref<2x16384xi32, #tpu.memory_space<hbm>> -> memref<2x512xi32, #tpu.memory_space<hbm>>
      tpu.enqueue_dma source(%arg7 : memref<2x512xi32, #tpu.memory_space<vmem>>) target(%dma_start3A_84 : memref<2x512xi32, #tpu.memory_space<hbm>>) target_semaphore(%run_scoped3A : memref<!tpu.dma_semaphore, #tpu.memory_space<semaphore_mem>>)
      %dma_wait3A_85 = arith.constant 0 : i32
      %dma_wait3A_86 = tpu.memref_slice %arg4[%dma_wait3A_85, %mul3A_2] : memref<2x16384xi32, #tpu.memory_space<hbm>> -> memref<2x512xi32, #tpu.memory_space<hbm>>
      %dma_wait3A_87 = arith.constant 0 : i32
      %dma_wait3A_88 = tpu.memref_slice %arg4[%dma_wait3A_87, %mul3A_2] : memref<2x16384xi32, #tpu.memory_space<hbm>> -> memref<2x512xi32, #tpu.memory_space<hbm>>
      tpu.wait_dma2 semaphore(%run_scoped3A : memref<!tpu.dma_semaphore, #tpu.memory_space<semaphore_mem>>) src(%arg7 : memref<2x512xi32, #tpu.memory_space<vmem>>) dst(%dma_wait3A_88 : memref<2x512xi32, #tpu.memory_space<hbm>>)
      tpu.yield
    }) : () -> ()
    return
  }
}

module attributes {stable_mosaic.version = 14 : i64} {
  func.func @_gemm_body(%arg0: i32, %arg1: memref<1xf32, #tpu.memory_space<smem>>, %arg2: memref<1024x2048xf32, #tpu.memory_space<vmem>>, %arg3: memref<16x2048xf32, #tpu.memory_space<vmem>>, %arg4: memref<16x1024xf32, #tpu.memory_space<vmem>>) attributes {dimension_semantics = [#tpu.dimension_semantics<arbitrary>], iteration_bounds = array<i64: 16>, scalar_prefetch = 0 : i64, scratch_operands = 0 : i64, tpu.core_type = #tpu.core_type<tc>, window_params = [{transform_indices = @transform_0, window_bounds = array<i64: 1>}, {transform_indices = @transform_1, window_bounds = array<i64: 1024, 2048>}, {pipeline_mode = #tpu.pipeline_mode<synchronous>, transform_indices = @transform_2, window_bounds = array<i64: 16, 2048>}, {transform_indices = @transform_3, window_bounds = array<i64: 16, 1024>}]} {
    %get3A = arith.constant 0 : index
    %get3A_0 = memref.load %arg1[%get3A] : memref<1xf32, #tpu.memory_space<smem>>
    %div3A = arith.constant 1.000000e+00 : f32
    %div3A_1 = arith.divf %div3A, %get3A_0 : f32
    %get3A_2 = arith.constant 0 : index
    %get3A_3 = arith.constant 0 : index
    %get3A_4 = vector.load %arg3[%get3A_2, %get3A_3] : memref<16x2048xf32, #tpu.memory_space<vmem>>, vector<16x2048xf32>
    %get3A_5 = arith.constant 0 : index
    %get3A_6 = arith.constant 0 : index
    %get3A_7 = vector.load %arg2[%get3A_5, %get3A_6] : memref<1024x2048xf32, #tpu.memory_space<vmem>>, vector<1024x2048xf32>
    %dot_general3A = arith.constant dense<0.000000e+00> : vector<16x1024xf32>
    %dot_general3A_8 = tpu.matmul %get3A_4, %get3A_7, %dot_general3A {dimension_numbers = #tpu.dot_dimension_numbers<[1], [1], [0], [0], [0, 0, 1, 0], [], []>, transpose_lhs_hint = false} : vector<16x2048xf32>, vector<1024x2048xf32>, vector<16x1024xf32> -> vector<16x1024xf32>
    %mul3A = vector.broadcast %div3A_1 : f32 to vector<16x1024xf32>
    %mul3A_9 = arith.mulf %dot_general3A_8, %mul3A : vector<16x1024xf32>
    %swap3A = arith.constant 0 : index
    %swap3A_10 = arith.constant 0 : index
    %swap3A_11 = vector.load %arg4[%swap3A, %swap3A_10] : memref<16x1024xf32, #tpu.memory_space<vmem>>, vector<16x1024xf32>
    tpu.vector_store %arg4[%swap3A, %swap3A_10], %mul3A_9 {strides = array<i32>} : memref<16x1024xf32, #tpu.memory_space<vmem>>, vector<16x1024xf32>,
    return
  }
  func.func @transform_0(%arg0: i32) -> i32 {
    %c0_i32 = arith.constant 0 : i32
    %c0_i32_0 = arith.constant 0 : i32
    return %c0_i32 : i32
  }
  func.func @transform_1(%arg0: i32) -> (i32, i32) {
    %c0_i32 = arith.constant 0 : i32
    %c0_i32_0 = arith.constant 0 : i32
    return %arg0, %c0_i32 : i32, i32
  }
  func.func @transform_2(%arg0: i32) -> (i32, i32) {
    %c0_i32 = arith.constant 0 : i32
    %c0_i32_0 = arith.constant 0 : i32
    %c0_i32_1 = arith.constant 0 : i32
    return %c0_i32, %c0_i32_0 : i32, i32
  }
  func.func @transform_3(%arg0: i32) -> (i32, i32) {
    %c0_i32 = arith.constant 0 : i32
    %c0_i32_0 = arith.constant 0 : i32
    return %c0_i32, %arg0 : i32, i32
  }
}

</mosaic_0001>

<sc_bundles>
// kernel: kernel.4.cloned.1.call-start
scs
__scs_entry_jumppad:
0x0: {  	(pc) =	sbr.rel $0x88, $3  }
0x1: {  	(tag) =	ssettag $0x0;
	lr =	simm.s32 $0x1  }
0x2: {  	[smem:$0x3F9E] =	sst lr;
	_ =	strace $0xD0000000  }
0x3: {  	_ = 	snop  }
0x4: {  	_ = 	snop  }
0x5: {  	_ = 	snop  }
0x6: {  	_ = 	snop  }
0x7: {  	_ = 	snop  }
__scs_overlays_trampoline_lowered:
0x8: {  	[smem:$0x3FAD] =	sst s0  }
0x9: {  	[smem:$0x3FAE] =	sst s1  }
0xa: {  	[smem:$0x3FAF] =	sst s2  }
0xb: {  	[smem:$0x3FB0] =	sst s3  }
0xc: {  	[smem:$0x3FB1] =	sst s4  }
0xd: {  	[smem:$0x3FB2] =	sst s5  }
0xe: {  	[smem:$0x3FB3] =	sst s6  }
0xf: {  	[smem:$0x3FB4] =	sst s7  }
0x10: {  	[smem:$0x3FB5] =	sst s8  }
0x11: {  	[smem:$0x3FB6] =	sst s9;
	s0 =	simm.s32 @!p0 $0x0  }
0x12: {  	s1 =	sld [smem:$0x3F9C];
	s0 =	simm.s32 @p0 $0x1  }
0x13: {  	[smem:$0x3FB7] =	sst s0;
	s0 =	simm.s32 @!p1 $0x0  }
0x14: {  	s2 =	sld [smem:$0x3F9B];
	s0 =	simm.s32 @p1 $0x1  }
0x15: {  	[smem:$0x3FB8] =	sst s0;
	s0 =	simm.s32 @!p2 $0x0  }
0x16: {  	s3 =	sld [smem:$0x3FDB];
	s0 =	simm.s32 @p2 $0x1  }
0x17: {  	s4 =	simm.s32 $0x1BF5;
	[smem:$0x3FBA] =	sst s0  }
0x18: {  	s0 =	sld [smem:$0x3F9D];
	_ =	swait.ge [sflag:s4], $0x0  }
0x19: {  	s7 =	sld [smem:$0x3F9E]  }
0x1a: {  	s8 =	sadd.s32 $0xFFFFE003, lr  }
0x1b: {  	s9 =	sadd.s32 $0xFFFFFEF7, lr;
	s5 =	simm.s32 $0xFFFFFFFF;
	p2 =	slt.u32 s8, $0xFFFFF086  }
0x1c: {  	p1 =	slt.u32 s9, $0xF7A;
	s5 =	simm.s32 @!p2 $0x0  }
0x1d: {  	s5 =	simm.s32 @p1 $0x1;
	p0 =	seq.s32 s7, s2  }
0x1e: {  	s7 =	smul.u32 @!p0 $0xF7A, s2;
	p2 =	seq.s32 @!p0 s5, $0x0  }
0x1f: {  	s9 =	smul.u32 $0xF7A, s1;
	s8 =	simm.s32 @!p0 $0x1BF5;
	p2 =	por !p2, p0  }
0x20: {  	[sflag:s8] =	ssyncset.s32 @!p0 $0xFFFFF086;
	s6 =	sadd.s32 @!p0 s3, s7;
	s7 =	simm.s32 @!p0 $0x108  }
0x21: {  	s3 =	sadd.s32 s3, s9;
	s6 =	sadd.s32 @!p0 $0x88, s6;
	s7 =	simm.s32 @p2 $0x1082  }
0x22: {  	[simem:s7], [sflag:s8] =	dma.local @!p0 [hbm:s6], $0xF7A  }
0x23: {  	s9 =	sor.u32 $0xD0000000, s2;
	s6 =	simm.s32 $0x108;
	_ =	swait.ge @!p0 [sflag:s8], $0x0  }
0x24: {  	s3 =	sadd.s32 $0x88, s3;
	s6 =	simm.s32 @!p1 $0x1082;
	[sflag:s4] =	ssyncset.s32 $0xFFFFF086  }
0x25: {  	[simem:s6], [sflag:s4] =	dma.local [hbm:s3], $0xF7A  }
0x26: {  	[smem:$0x3F9E] =	sst s1;
	(tag) =	ssettag s2;
	_ =	strace s9  }
0x27: {  	s1 =	sld [smem:$0x3FAE]  }
0x28: {  	s2 =	sld [smem:$0x3FAF]  }
0x29: {  	s4 =	sld [smem:$0x3FB1]  }
0x2a: {  	p0 =	seq.s32 s5, $0x0;
	s5 =	sld [smem:$0x3FB2]  }
0x2b: {  	s6 =	sld [smem:$0x3FB3]  }
0x2c: {  	s7 =	sld [smem:$0x3FB4]  }
0x2d: {  	s3 =	simm.s32 $0x108;
	s8 =	sld [smem:$0x3FB5]  }
0x2e: {  	s3 =	simm.s32 @!p0 $0x1082;
	s9 =	sld [smem:$0x3FB6]  }
0x2f: {  	lr =	sadd.s32 s0, s3;
	s0 =	sld [smem:$0x3FAD]  }
0x30: {  	s3 =	sld [smem:$0x3FB0]  }
0x31: {  	[smem:$0x3FB9] =	sst s10  }
0x32: {  	s10 =	sld [smem:$0x3FB7];
	_ =	sdelay $0x3  }
0x33: {  	p0 =	seq.s32 s10, $0x1;
	s10 =	sld [smem:$0x3FB9];
	_ =	sdelay $0x3  }
0x34: {  	[smem:$0x3FB9] =	sst s10  }
0x35: {  	s10 =	sld [smem:$0x3FB8];
	_ =	sdelay $0x3  }
0x36: {  	p1 =	seq.s32 s10, $0x1;
	s10 =	sld [smem:$0x3FB9];
	_ =	sdelay $0x3  }
0x37: {  	[smem:$0x3FB9] =	sst s10  }
0x38: {  	s10 =	sld [smem:$0x3FBA]  }
0x39: {  	_ = 	snop;
	(pc) =	sbr.ind lr, $3  }
0x3a: {  	_ = 	snop  }
0x3b: {  	_ = 	snop  }
0x3c: {  	p2 =	seq.s32 s10, $0x1;
	s10 =	sld [smem:$0x3FB9]  }
0x3d: {  	_ =	shalt  }
0x3e: {  	_ =	shalt  }
0x3f: {  	_ =	shalt  }
0x40: {  	_ =	shalt  }
0x41: {  	_ =	shalt  }
0x42: {  	_ =	shalt  }
0x43: {  	_ =	shalt  }
0x44: {  	_ =	shalt  }
0x45: {  	_ =	shalt  }
0x46: {  	_ =	shalt  }
0x47: {  	_ =	shalt  }
0x48: {  	_ =	shalt  }
0x49: {  	_ =	shalt  }
0x4a: {  	_ =	shalt  }
0x4b: {  	_ =	shalt  }
0x4c: {  	_ =	shalt  }
0x4d: {  	_ =	shalt  }
0x4e: {  	_ =	shalt  }
0x4f: {  	_ =	shalt  }
0x50: {  	_ =	shalt  }
0x51: {  	_ =	shalt  }
0x52: {  	_ =	shalt  }
0x53: {  	_ =	shalt  }
0x54: {  	_ =	shalt  }
0x55: {  	_ =	shalt  }
0x56: {  	_ =	shalt  }
0x57: {  	_ =	shalt  }
0x58: {  	_ =	shalt  }
0x59: {  	_ =	shalt  }
0x5a: {  	_ =	shalt  }
0x5b: {  	_ =	shalt  }
0x5c: {  	_ =	shalt  }
0x5d: {  	_ =	shalt  }
0x5e: {  	_ =	shalt  }
0x5f: {  	_ =	shalt  }
0x60: {  	_ =	shalt  }
0x61: {  	_ =	shalt  }
0x62: {  	_ =	shalt  }
0x63: {  	_ =	shalt  }
0x64: {  	_ =	shalt  }
0x65: {  	_ =	shalt  }
0x66: {  	_ =	shalt  }
0x67: {  	_ =	shalt  }
0x68: {  	_ =	shalt  }
0x69: {  	_ =	shalt  }
0x6a: {  	_ =	shalt  }
0x6b: {  	_ =	shalt  }
0x6c: {  	_ =	shalt  }
0x6d: {  	_ =	shalt  }
0x6e: {  	_ =	shalt  }
0x6f: {  	_ =	shalt  }
0x70: {  	_ =	shalt  }
0x71: {  	_ =	shalt  }
0x72: {  	_ =	shalt  }
0x73: {  	_ =	shalt  }
0x74: {  	_ =	shalt  }
0x75: {  	_ =	shalt  }
0x76: {  	_ =	shalt  }
0x77: {  	_ =	shalt  }
0x78: {  	_ =	shalt  }
0x79: {  	_ =	shalt  }
0x7a: {  	_ =	shalt  }
0x7b: {  	_ =	shalt  }
0x7c: {  	_ =	shalt  }
0x7d: {  	_ =	shalt  }
0x7e: {  	_ =	shalt  }
0x7f: {  	_ =	shalt  }
0x80: {  	_ =	shalt  }
0x81: {  	_ =	shalt  }
0x82: {  	_ =	shalt  }
0x83: {  	_ =	shalt  }
0x84: {  	_ =	shalt  }
0x85: {  	_ =	shalt  }
0x86: {  	_ =	shalt  }
0x87: {  	_ =	shalt  }
.Lfunc_end0:
.L_simem_size_0:
called_computation_lowered:
.L_overlay_start_0:
0x88: {  	s2 =	sld [smem:$0x3FD9]  }
0x89: {  	s3 =	sld [smem:$0x3FFE];
	_ =	sdelay $0x1  }
0x8a: {  	s1 =	srdreg.scid  }
0x8b: {  	s0 =	sand.u32 $0x1, s1  }
0x8c: {  	s14 =	sshll.u32 s0, $0xA;
	s2 =	sadd.s32 s3, s2  }
0x8d: {  	s2 =	sadd.s32 s2, s14  }
0x8e: {  	[smem:$0x3FC5] =	sst s2  }
0x8f: {  	_ = 	snop  }
0x90: {  	s2 =	sld [smem:$0x3FD0];
	_ =	sdelay $0x2  }
0x91: {  	s15 =	simm.s32 $0xA;
	s4 =	simm.s32 $0x10  }
0x92: {  	[smem:s4], [sflag:s15] =	dma.local [hbm:s2], $0x1  }
0x93: {  	_ =	swait.eq [sflag:s15], $0x1  }
0x94: {  	[sflag:s15] =	ssyncset.done $0x0  }
0x95: {  	s16 =	sld [smem:$0x10];
	[sflag:s15] =	ssyncadd.s32 $0xFFFFFFFF  }
0x96: {  	s17 =	sld [smem:$0x11];
	(tm) =	ssettm $0x1  }
0x97: {  	s18 =	sld [smem:$0x3FFB];
	_ =	sdelay $0x3  }
0x98: {  	_ =	strace s18  }
0x99: {  	s4 =	sld [smem:$0x3FFC];
	_ =	sdelay $0x3  }
0x9a: {  	_ =	strace s4  }
0x9b: {  	s4 =	sld [smem:$0x3FFD];
	_ =	sdelay $0x3  }
0x9c: {  	_ =	strace s4  }
0x9d: {  	_ =	strace $0x8FFFFFFF  }
0x9e: {  	s19 =	sld [smem:$0x3FDB];
	_ =	sdelay $0x1  }
0x9f: {  	s5 =	simm.s32 $_scs_section_size  }
0xa0: {  	s6 =	simm.s32 $_size__tile_overlayer_lowered;
	s7 =	simm.s32 $_tile_overlayer_lowered  }
0xa1: {  	s22 =	simm.s32 $0x1BFF;
	s21 =	sshll.u32 s7, $0x1;
	s4 =	sadd.s32 s5, s19  }
0xa2: {  	s8 =	simm.s32 $0x0;
	s20 =	sshll.u32 s6, $0x1;
	s6 =	sadd.s32 s21, s4  }
0xa3: {  	[timem:s8], [sflag:s22] =	dma.local [hbm:s6], s20  }
0xa4: {  	_ =	swait.ge [sflag:s22], s20  }
0xa5: {  	s5 =	ssub.s32 $0x0, s20;
	[sflag:s22] =	ssyncset.done $0x0  }
0xa6: {  	[sflag:s22] =	ssyncadd.s32 s5;
	_ =	sdelay $0x1  }
0xa7: {  	s23 =	simm.s32 $0x1B8B  }
0xa8: {  	_ =	swait.ge [sflag:s23], $0x1  }
0xa9: {  	[sflag:s23] =	ssyncset.done $0x0  }
0xaa: {  	s25 =	simm.s32 $0x1B8E;
	s24 =	sld [smem:$0x3FFE];
	[sflag:s23] =	ssyncadd.s32 $0xFFFFFFFF  }
0xab: {  	s26 =	simm.s32 $execute0_lowered;
	[smem:$0x3FD2] =	sst s25  }
0xac: {  	s6 =	sshll.u32 s26, $0x1;
	_ =	strace $0x80000046;
	[dreg:$0x1] =	wrdreg $0xFFFFFFFF  }
0xad: {  	s28 =	simm.s32 $_size_execute0_lowered;
	s4 =	sadd.s32 s4, s6;
	[dreg:$0x0] =	wrdreg $0x0  }
0xae: {  	s6 =	sshll.u32 s28, $0x1;
	[dreg:$0x2] =	wrdreg s4  }
0xaf: {  	[dreg:$0x3] =	wrdreg s6  }
0xb0: {  	[dreg:$0x4] =	wrdreg $0xC0  }
0xb1: {  	_ =	task [dreg:s8], $0x5FFFF  }
0xb2: {  	[dreg:$0x1] =	wrdreg $0xFFFFFFFF  }
0xb3: {  	[dreg:$0x0] =	wrdreg $0x60  }
0xb4: {  	[dreg:$0x2] =	wrdreg s24  }
0xb5: {  	[dreg:$0x3] =	wrdreg s16  }
0xb6: {  	[dreg:$0x4] =	wrdreg s17  }
0xb7: {  	[dreg:$0x5] =	wrdreg $0x9  }
0xb8: {  	_ =	task.clear_ibuf [dreg:s8], $0x6FFFF;
	_ =	strace $0x90000046  }
0xb9: {  	s29 =	simm.s32 $0x9;
	_ =	strace $0x80000048  }
0xba: {  	_ =	swait.ge [sflag:s29], $0x1  }
0xbb: {  	[sflag:s29] =	ssyncadd.s32 $0xFFFFFFFF  }
0xbc: {  	_ =	strace $0x90000048  }
0xbd: {  	_ =	sfence  }
0xbe: {  	s30 =	sld [smem:$0x0];
	_ =	sdelay $0x2  }
0xbf: {  	s31 =	sshll.u32 s1, $0xD;
	s1 =	sshrl.u32 s1, $0x2  }
0xc0: {  	s3 =	sand.u32 $0x4000, s31;
	s1 =	sadd.s32 s1, s30  }
0xc1: {  	s0 =	sor.u32 s3, s0;
	s1 =	sshll.u32 s1, $0x11  }
0xc2: {  	s0 =	sor.u32 s1, s0  }
0xc3: {  	s0 =	sadd.s32 $0x8F2B, s0  }
0xc4: {  	[sflag:s0] =	ssyncadd.remote.s32 $0x1  }
0xc5: {  	_ =	sfence.sel $0xFFFF  }
0xc6: {  	[dreg:$0x0] =	wrdreg $0xFFFFFFFF;
	(pc) =	sbr.abs _section_cstart, $3  }
0xc7: {  	[dreg:$0x1] =	wrdreg $0xFFFFFFFF  }
0xc8: {  	_ =	task.clear_ibuf [dreg:s8], $0x2FFFF;
	_ =	strace $0x9FFFFFFF  }
0xc9: {  	(tm) =	ssettm $0x7FFFFFFF  }
tec
execute0_lowered:
.L_overlay_start_1:
0x0: {  	(tag) =	ssettag $0x1  }
0x1: {  	s3 =	rddreg [dreg:$0x0]  }
0x2: {  	s6 =	rddreg [dreg:$0x1]  }
0x3: {  	s7 =	rddreg [dreg:$0x2]  }
0x4: {  	s0 =	rddreg [dreg:$0x3];
	s4 =	srdreg.scid  }
0x5: {  	s2 =	simm.s32 $0x0;
	s1 =	stileid.u32;
	s11 =	simm.s32 $0x2000  }
0x6: {  	s12 =	simm.s32 $0x2;
	s13 =	simm.s32 $0x3000;
	s14 =	simm.s32 $0x4000  }
0x7: {  	s15 =	simm.s32 $0x0;
	s4 =	sand.u32 $0x1, s4;
	[smem:$0x7FF] =	sst s2  }
0x8: {  	s5 =	sshll.u32 s1, $0xA;
	s8 =	sshll.u32 s4, $0x9;
	s4 =	ssub.s32 $0x2, s4  }
0x9: {  	s30 =	sadd.s32 $0xC00, s3;
	s8 =	sor.u32 s8, s5;
	s31 =	sshrl.u32 s4, $0x1  }
0xa: {  	_ =	strace $0x80000047;
	s9 =	sor.u32 $0x4000, s8;
	s10 =	ssub.s32 s4, s31  }
0xb: {  	s3 =	sadd.s32 s30, s8;
	s5 =	sadd.s32 s6, s8;
	s8 =	sshrl.u32 s8, $0x2  }
0xc: {  	s4 =	sadd.s32 s30, s9;
	s6 =	sadd.s32 s6, s9;
	s7 =	sadd.s32 s7, s8  }
0xd: {  	v0 =	vimm.s32 $0x0;
	s8 =	smax.u32 s10, $0x1;
	s9 =	simm.s32 $0x1000;
	s10 =	simm.s32 $0x1  }
.LBB2_1:
0xe: {  	[tilespmem:s2], [sflag:$0x1] =	stream.linear.gather [hbm4b:s3+s2], $0x1000, $0x38;
	[tilespmem:$0x4400] =	vst v63  }
0xf: {  	_ = 	snop  }
0x10: {  	[tilespmem:s9], [sflag:$0x1] =	stream.linear.gather [hbm4b:s4+s2], $0x1000, $0x38;
	[tilespmem:$0x4400] =	vst v63  }
0x11: {  	_ =	swait.ge [sflag:s10], $0x1000  }
0x12: {  	[sflag:s10] =	ssyncset.done $0x0  }
0x13: {  	[sflag:s10] =	ssyncadd.s32 $0xFFFFF000  }
0x14: {  	_ =	swait.ge [sflag:s10], $0x1000  }
0x15: {  	[sflag:s10] =	ssyncset.done $0x0  }
0x16: {  	s16 =	simm.s32 $0x0;
	s17 =	simm.s32 $0x0;
	[sflag:s10] =	ssyncadd.s32 $0xFFFFF000  }
.LBB2_2:
0x17: {  	s18 =	sand.u32 $0x70, s16;
	s19 =	sand.u32 $0x7FFFFC00, s17  }
0x18: {  	s20 =	sor.u32 s18, s19  }
0x19: {  	v2 =	vld [tilespmem:s20+$0x0]  }
0x1a: {  	v3 =	vld [tilespmem:s20+$0x80]  }
0x1b: {  	s21 =	sand.u32 $0xFFFFFC00, s17  }
0x1c: {  	s24 =	sadd.s32 s21, s16;
	v4 =	vld [tilespmem:s20+$0x100]  }
0x1d: {  	s23 =	sor.u32 $0x180, s24  }
0x1e: {  	v5 =	vld [tilespmem:s23+$0x0]  }
0x1f: {  	vm0 =	vgt.f32 v3, v2  }
0x20: {  	v6 =	vld [tilespmem:s20+$0x200];
	v1 =	vsel vm0, v3, v2  }
0x21: {  	vm1 =	vgt.f32 v4, v1  }
0x22: {  	v7 =	vld [tilespmem:s20+$0x280];
	v1 =	vsel vm1, v4, v1  }
0x23: {  	vm2 =	vgt.f32 v5, v1  }
0x24: {  	v8 =	vld [tilespmem:s20+$0x300];
	v1 =	vsel vm2, v5, v1  }
0x25: {  	s21 =	sor.u32 $0x380, s24;
	vm3 =	vgt.f32 v6, v1  }
0x26: {  	v9 =	vld [tilespmem:s21+$0x0];
	v1 =	vsel vm3, v6, v1  }
0x27: {  	s22 =	sor.u32 $0x1000, s20;
	vm4 =	vgt.f32 v7, v1  }
0x28: {  	v10 =	vld [tilespmem:s22+$0x0];
	v1 =	vsel vm4, v7, v1  }
0x29: {  	s26 =	sor.u32 $0x1080, s20;
	vm5 =	vgt.f32 v8, v1  }
0x2a: {  	v11 =	vld [tilespmem:s26+$0x0];
	v1 =	vsel vm5, v8, v1  }
0x2b: {  	s28 =	sor.u32 $0x1100, s20;
	vm6 =	vgt.f32 v9, v1  }
0x2c: {  	v12 =	vld [tilespmem:s28+$0x0];
	v1 =	vsel vm6, v9, v1  }
0x2d: {  	s29 =	sor.u32 $0x1180, s24;
	vm7 =	vgt.f32 v10, v1  }
0x2e: {  	v13 =	vld [tilespmem:s29+$0x0];
	v14 =	vsel vm0, $0x1, v0;
	v1 =	vsel vm7, v10, v1  }
0x2f: {  	s25 =	sor.u32 $0x1200, s20;
	v14 =	vsel vm1, $0x2, v14;
	vm12 =	vgt.f32 v11, v1  }
0x30: {  	v15 =	vld [tilespmem:s25+$0x0];
	v14 =	vsel vm2, $0x3, v14;
	v1 =	vsel vm12, v11, v1  }
0x31: {  	s30 =	sor.u32 $0x1280, s20;
	v14 =	vsel vm3, $0x4, v14;
	vm13 =	vgt.f32 v12, v1  }
0x32: {  	v16 =	vld [tilespmem:s30+$0x0];
	v14 =	vsel vm4, $0x5, v14;
	v1 =	vsel vm13, v12, v1  }
0x33: {  	s31 =	sor.u32 $0x1300, s20;
	v14 =	vsel vm5, $0x6, v14;
	vm14 =	vgt.f32 v13, v1  }
0x34: {  	v17 =	vld [tilespmem:s31+$0x0];
	v14 =	vsel vm6, $0x7, v14;
	v1 =	vsel vm14, v13, v1  }
0x35: {  	s24 =	sor.u32 $0x1380, s24;
	v14 =	vsel vm7, $0x8, v14;
	vm15 =	vgt.f32 v15, v1  }
0x36: {  	v18 =	vld [tilespmem:s24+$0x0];
	v14 =	vsel vm12, $0x9, v14;
	v1 =	vsel vm15, v15, v1  }
0x37: {  	v14 =	vsel vm13, $0xA, v14;
	vm5 =	vgt.f32 v16, v1  }
0x38: {  	v14 =	vsel vm14, $0xB, v14;
	v1 =	vsel vm5, v16, v1  }
0x39: {  	v14 =	vsel vm15, $0xC, v14;
	vm6 =	vgt.f32 v17, v1  }
0x3a: {  	v14 =	vsel vm5, $0xD, v14;
	v19 =	vsel vm6, v17, v1  }
0x3b: {  	v1 =	vsel vm6, $0xE, v14;
	vm15 =	vgt.f32 v18, v19  }
0x3c: {  	v1 =	vsel vm15, $0xF, v1  }
0x3d: {  	vm7 =	veq.s32 v1, $0x0  }
0x3e: {  	v60 =	vimm.s32 $0x0;
	v2 =	vsel vm7, $0xFF800000, v2  }
0x3f: {  	v61 =	vimm.s32 $0x0;
	vm8 =	veq.s32 v1, $0x1;
	vm0 =	vgt.f32 v2, $-Inf  }
0x40: {  	v62 =	vimm.s32 $0x0;
	v3 =	vsel vm8, $0xFF800000, v3;
	v2 =	vnsel vm0, $0xFF800000, v2  }
0x41: {  	v63 =	vimm.s32 $0x0;
	vm9 =	veq.s32 v1, $0x2;
	vm14 =	vgt.f32 v3, v2  }
0x42: {  	v14 =	vsel vm7, $0xFFFFFFFF, v60;
	v2 =	vsel vm14, v3, v2;
	v3 =	vsel vm9, $0xFF800000, v4  }
0x43: {  	vm10 =	veq.s32 v1, $0x3;
	[tilespmem:$0x1FF00] =	vst v14;
	v14 =	vsel vm8, $0xFFFFFFFF, v61;
	vm13 =	vgt.f32 v3, v2  }
0x44: {  	[tilespmem:$0x1FF10] =	vst v14;
	v14 =	vsel vm9, $0xFFFFFFFF, v62;
	v2 =	vsel vm13, v3, v2;
	v3 =	vsel vm10, $0xFF800000, v5  }
0x45: {  	vm11 =	veq.s32 v1, $0x4;
	[tilespmem:$0x1FF20] =	vst v14;
	v14 =	vimm.s32 $0x0;
	vm12 =	vgt.f32 v3, v2  }
0x46: {  	v4 =	vsel vm10, $0xFFFFFFFF, v63;
	v2 =	vsel vm12, v3, v2;
	v3 =	vsel vm11, $0xFF800000, v6  }
0x47: {  	vm4 =	veq.s32 v1, $0x5;
	[tilespmem:$0x1FF30] =	vst v4;
	v4 =	vsel vm11, $0xFFFFFFFF, v14;
	vm11 =	vgt.f32 v3, v2  }
0x48: {  	v20 =	vimm.s32 $0x0;
	v2 =	vsel vm11, v3, v2;
	v3 =	vsel vm4, $0xFF800000, v7  }
0x49: {  	v21 =	vimm.s32 $0x0;
	vm5 =	veq.s32 v1, $0x6;
	vm10 =	vgt.f32 v3, v2  }
0x4a: {  	v22 =	vimm.s32 $0x0;
	v2 =	vsel vm10, v3, v2;
	v3 =	vsel vm5, $0xFF800000, v8  }
0x4b: {  	v23 =	vimm.s32 $0x0;
	vm6 =	veq.s32 v1, $0x7;
	vm9 =	vgt.f32 v3, v2  }
0x4c: {  	[tilespmem:$0x1FF40] =	vst v4;
	v4 =	vsel vm4, $0xFFFFFFFF, v20;
	v2 =	vsel vm9, v3, v2;
	v3 =	vsel vm6, $0xFF800000, v9  }
0x4d: {  	vm7 =	veq.s32 v1, $0x8;
	[tilespmem:$0x1FF50] =	vst v4;
	v4 =	vsel vm5, $0xFFFFFFFF, v21;
	vm8 =	vgt.f32 v3, v2  }
0x4e: {  	[tilespmem:$0x1FF60] =	vst v4;
	v4 =	vsel vm6, $0xFFFFFFFF, v22;
	v2 =	vsel vm8, v3, v2;
	v3 =	vsel vm7, $0xFF800000, v10  }
0x4f: {  	[tilespmem:$0x1FF70] =	vst v4;
	v4 =	vsel vm7, $0xFFFFFFFF, v23;
	vm4 =	veq.s32 v1, $0x9;
	vm7 =	vgt.f32 v3, v2  }
0x50: {  	v24 =	vimm.s32 $0x0;
	v2 =	vsel vm7, v3, v2;
	v3 =	vsel vm4, $0xFF800000, v11  }
0x51: {  	v25 =	vimm.s32 $0x0;
	vm5 =	veq.s32 v1, $0xA;
	vm6 =	vgt.f32 v3, v2  }
0x52: {  	[tilespmem:$0x1FF80] =	vst v4;
	v4 =	vsel vm4, $0xFFFFFFFF, v24;
	v2 =	vsel vm6, v3, v2;
	v3 =	vsel vm5, $0xFF800000, v12  }
0x53: {  	[tilespmem:$0x1FF90] =	vst v4;
	v4 =	vsel vm5, $0xFFFFFFFF, v25;
	vm4 =	veq.s32 v1, $0xB;
	vm5 =	vgt.f32 v3, v2  }
0x54: {  	v26 =	vimm.s32 $0x0;
	v2 =	vsel vm5, v3, v2;
	v3 =	vsel vm4, $0xFF800000, v13  }
0x55: {  	vm0 =	veq.s32 v1, $0xC;
	[tilespmem:$0x1FFA0] =	vst v4;
	v4 =	vsel vm4, $0xFFFFFFFF, v26;
	vm4 =	vgt.f32 v3, v2  }
0x56: {  	v27 =	vimm.s32 $0x0;
	v2 =	vsel vm4, v3, v2;
	v3 =	vsel vm0, $0xFF800000, v15  }
0x57: {  	[tilespmem:$0x1FFB0] =	vst v4;
	v4 =	vsel vm0, $0xFFFFFFFF, v27;
	vm0 =	veq.s32 v1, $0xD;
	vm3 =	vgt.f32 v3, v2  }
0x58: {  	v28 =	vimm.s32 $0x0;
	v2 =	vsel vm3, v3, v2;
	v3 =	vsel vm0, $0xFF800000, v16  }
0x59: {  	[tilespmem:$0x1FFC0] =	vst v4;
	v4 =	vsel vm0, $0xFFFFFFFF, v28;
	vm0 =	veq.s32 v1, $0xE;
	vm2 =	vgt.f32 v3, v2  }
0x5a: {  	v29 =	vimm.s32 $0x0;
	v2 =	vsel vm2, v3, v2;
	v3 =	vsel vm0, $0xFF800000, v17  }
0x5b: {  	[tilespmem:$0x1FFD0] =	vst v4;
	v4 =	vsel vm0, $0xFFFFFFFF, v29;
	vm0 =	veq.s32 v1, $0xF;
	vm1 =	vgt.f32 v3, v2  }
0x5c: {  	v30 =	vimm.s32 $0x0;
	v2 =	vsel vm1, v3, v2;
	v3 =	vsel vm0, $0xFF800000, v18  }
0x5d: {  	[tilespmem:$0x1FFE0] =	vst v4;
	v4 =	vsel vm0, $0xFFFFFFFF, v30;
	vm0 =	vgt.f32 v3, v2  }
0x5e: {  	v31 =	vsel vm15, v18, v19;
	v2 =	vsel vm0, v3, v2  }
0x5f: {  	v2 =	vsub.f32 v2, v31;
	_ =	sdelay $0x1  }
0x60: {  	v2 =	vmul.f32 $1.442695020e+00, v2;
	_ =	sdelay $0x1  }
0x61: {  	(erf) = vpow2.f32 v2;
	_ =	sdelay $0x5  }
0x62: {  	v2 =	vsel vm14, $0x1, v0  }
0x63: {  	v2 =	vsel vm13, $0x2, v2  }
0x64: {  	v2 =	vsel vm12, $0x3, v2  }
0x65: {  	v2 =	vsel vm11, $0x4, v2;
	v3 =	vpop (erf)  }
0x66: {  	v2 =	vsel vm10, $0x5, v2;
	v32 =	vadd.f32 $1.000000000e+00, v3  }
0x67: {  	v34 =	vld [tilespmem:$0x1FF00];
	v2 =	vsel vm9, $0x6, v2  }
0x68: {  	v36 =	vld [tilespmem:$0x1FF10];
	v2 =	vsel vm8, $0x7, v2;
	(erf) = vrcp.f32 v32  }
0x69: {  	v38 =	vld [tilespmem:$0x1FF20];
	v2 =	vsel vm7, $0x8, v2  }
0x6a: {  	v40 =	vld [tilespmem:$0x1FF30];
	v2 =	vsel vm6, $0x9, v2  }
0x6b: {  	v44 =	vld [tilespmem:$0x1FF50];
	v2 =	vsel vm5, $0xA, v2  }
0x6c: {  	v42 =	vld [tilespmem:$0x1FF40];
	v2 =	vsel vm4, $0xB, v2  }
0x6d: {  	v2 =	vsel vm3, $0xC, v2  }
0x6e: {  	v2 =	vsel vm2, $0xD, v2  }
0x6f: {  	vm14 =	vnez.u8 v38;
	vm12 =	vnez.u8 v36;
	v2 =	vsel vm1, $0xE, v2  }
0x70: {  	vm10 =	vnez.u8 v34;
	vm8 =	vnez.u8 v44;
	v2 =	vsel vm0, $0xF, v2  }
0x71: {  	[tilespmem:$0x1FFF0] =	vst v4;
	vm6 =	vnez.u8 v42;
	vm4 =	vnez.u8 v40;
	vm0 =	veq.s32 v2, $0x0;
	v4 =	vpop (erf)  }
0x72: {  	vm9 =	veq.s32 v2, $0x1;
	vm11 =	veq.s32 v2, $0x2;
	v3 =	vmul.f32 v4, v3  }
0x73: {  	vm13 =	veq.s32 v2, $0x3;
	vm15 =	veq.s32 v2, $0x4;
	vm5 =	veq.s32 v2, $0x5  }
0x74: {  	vm7 =	veq.s32 v2, $0x6;
	v33 =	vnsel vm0, $0x0, v3;
	v35 =	vnsel vm9, $0x0, v3  }
0x75: {  	v46 =	vld [tilespmem:$0x1FF60];
	v37 =	vnsel vm11, $0x0, v3;
	v39 =	vnsel vm13, $0x0, v3;
	v41 =	vnsel vm15, $0x0, v3  }
0x76: {  	v48 =	vld [tilespmem:$0x1FF70];
	v43 =	vnsel vm5, $0x0, v3;
	v45 =	vnsel vm7, $0x0, v3;
	v5 =	vsel vm10, v4, v33  }
0x77: {  	vm9 =	veq.s32 v2, $0x7;
	vm11 =	veq.s32 v2, $0x8;
	v6 =	vsel vm12, v4, v35;
	[tilespmem:s20+$0x2000] =	vst v5  }
0x78: {  	v50 =	vld [tilespmem:$0x1FF80];
	vm13 =	veq.s32 v2, $0x9;
	vm15 =	veq.s32 v2, $0xA;
	v5 =	vsel vm14, v4, v37;
	[tilespmem:s20+$0x2080] =	vst v6  }
0x79: {  	v52 =	vld [tilespmem:$0x1FF90];
	vm5 =	veq.s32 v2, $0xB;
	vm7 =	veq.s32 v2, $0xC;
	v6 =	vsel vm4, v4, v39;
	[tilespmem:s20+$0x2100] =	vst v5  }
0x7a: {  	v54 =	vld [tilespmem:$0x1FFA0];
	vm10 =	vnez.u8 v46;
	v47 =	vnsel vm9, $0x0, v3;
	v5 =	vsel vm6, v4, v41;
	[tilespmem:s23+$0x2000] =	vst v6  }
0x7b: {  	v56 =	vld [tilespmem:$0x1FFB0];
	vm12 =	vnez.u8 v48;
	v49 =	vnsel vm11, $0x0, v3;
	v6 =	vsel vm8, v4, v43;
	[tilespmem:s20+$0x2200] =	vst v5  }
0x7c: {  	v58 =	vld [tilespmem:$0x1FFC0];
	v51 =	vnsel vm13, $0x0, v3;
	v53 =	vnsel vm15, $0x0, v3;
	v5 =	vsel vm10, v4, v45;
	[tilespmem:s20+$0x2280] =	vst v6  }
0x7d: {  	v60 =	vld [tilespmem:$0x1FFD0];
	v55 =	vnsel vm5, $0x0, v3;
	vm14 =	vnez.u8 v50;
	v6 =	vsel vm12, v4, v47;
	[tilespmem:s20+$0x2300] =	vst v5  }
0x7e: {  	v62 =	vld [tilespmem:$0x1FFE0];
	v57 =	vnsel vm7, $0x0, v3;
	vm4 =	vnez.u8 v52;
	v5 =	vsel vm14, v4, v49;
	[tilespmem:s21+$0x2000] =	vst v6  }
0x7f: {  	v63 =	vld [tilespmem:$0x1FFF0];
	vm9 =	veq.s32 v2, $0xD;
	vm6 =	vnez.u8 v54;
	v6 =	vsel vm4, v4, v51;
	[tilespmem:s20+$0x3000] =	vst v5  }
0x80: {  	vm11 =	veq.s32 v2, $0xE;
	vm8 =	vnez.u8 v56;
	v5 =	vsel vm6, v4, v53;
	[tilespmem:s20+$0x3080] =	vst v6  }
0x81: {  	vm13 =	veq.s32 v2, $0xF;
	vm10 =	vnez.u8 v58;
	v6 =	vsel vm8, v4, v55;
	[tilespmem:s20+$0x3100] =	vst v5  }
0x82: {  	v59 =	vnsel vm9, $0x0, v3;
	vm12 =	vnez.u8 v60;
	v5 =	vsel vm10, v4, v57;
	[tilespmem:s29+$0x2000] =	vst v6  }
0x83: {  	p0 =	sne.s32 s17, $0xF80;
	v61 =	vnsel vm11, $0x0, v3;
	vm14 =	vnez.u8 v62;
	v6 =	vsel vm12, v4, v59;
	[tilespmem:s20+$0x3200] =	vst v5  }
.Ltmp0:
0x84: {  	vm15 =	vnez.u8 v63;
	v3 =	vnsel vm13, $0x0, v3;
	v5 =	vsel vm14, v4, v61;
	[tilespmem:s20+$0x3280] =	vst v6;
	(pc) =	sbr.rel @p0 .LBB2_2-.Ltmp0, $4  }
0x85: {  	s19 =	sshrl.u32 s19, $0x2;
	v3 =	vsel vm15, v4, v3;
	[tilespmem:s20+$0x3300] =	vst v5  }
0x86: {  	s18 =	sor.u32 s18, s19;
	[tilespmem:s24+$0x2000] =	vst v3  }
0x87: {  	[tilespmem:s18+$0x4000] =	vst v1  }
0x88: {  	s17 =	sadd.s32 $0x80, s17;
	s16 =	sadd.s32 $0x10, s16;
	[tilespmem:s18+$0x4080] =	vst v2  }
0x89: {  	[hbm4b:s5+s2] =	stream.linear.scatter [tilespmem:s11], [sflag:$0x2], $0x1000, $0x38;
	[tilespmem:$0x4400] =	vst v63  }
0x8a: {  	_ =	swait.ge [sflag:s12], $0x1000  }
0x8b: {  	[sflag:s12] =	ssyncset.done $0x0  }
0x8c: {  	[sflag:s12] =	ssyncadd.s32 $0xFFFFF000  }
0x8d: {  	[hbm4b:s6+s2] =	stream.linear.scatter [tilespmem:s13], [sflag:$0x2], $0x1000, $0x38;
	[tilespmem:$0x4400] =	vst v63  }
0x8e: {  	s15 =	sadd.s32 $0x1, s15;
	_ =	swait.ge [sflag:s12], $0x1000  }
0x8f: {  	p0 =	sne.s32 s15, s8;
	[sflag:s12] =	ssyncset.done $0x0  }
.Ltmp1:
0x90: {  	[sflag:s12] =	ssyncadd.s32 $0xFFFFF000;
	(pc) =	sbr.rel @p0 .LBB2_1-.Ltmp1, $4  }
0x91: {  	[hbm4b:s7+s2] =	stream.linear.scatter [tilespmem:s14], [sflag:$0x2], $0x400, $0x38;
	[tilespmem:$0x4400] =	vst v63  }
0x92: {  	_ =	swait.ge [sflag:s12], $0x400  }
0x93: {  	[sflag:s12] =	ssyncset.done $0x0  }
0x94: {  	[sflag:s12] =	ssyncadd.s32 $0xFFFFFC00  }
0x95: {  	_ =	sfence.sel $0x180000  }
0x96: {  	[bflag:$0x0] =	sbarrier.arrive $0xFFFF  }
0x97: {  	p0 =	sne.s32 s1, $0x0;
	_ =	strace $0x90000047  }
0x98: {  	s0 =	sadd.s32 @!p0 $0x100000, s0;
	[bflag:$0x2] =	sbarrier.arrive $0xFFFF  }
0x99: {  	[sflag:s0] =	ssyncadd.tile.s32 @!p0 $0x1;
	_ =	shalt  }
.Lfunc_end2:
_tile_overlayer_lowered:
.L_overlay_start_2:
0x9a: {  	(tag) =	ssettag $0x2  }
0x9b: {  	s0 =	rddreg [dreg:$0x0];
	s2 =	stileid.u32  }
0x9c: {  	s1 =	rddreg [dreg:$0x1];
	p0 =	sne.s32 s2, $0x0  }
0x9d: {  	s3 =	rddreg [dreg:$0x2];
	[bflag:$0x3] =	sbarrier.arrive $0xFFFF;
	s2 =	simm.s32 @!p0 $0x1C02  }
0x9e: {  	[timem:s3], [sflag:s2] =	dma.local @!p0 [hbm:s0], s1  }
0x9f: {  	s0 =	simm.s32 @!p0 $0x2  }
0xa0: {  	_ =	swait.ge @!p0 [sflag:s0], s1  }
0xa1: {  	s1 =	ssub.s32 @!p0 $0x0, s1;
	[sflag:s0] =	ssyncset.done @!p0 $0x0  }
0xa2: {  	[sflag:s0] =	ssyncadd.s32 @!p0 s1  }
0xa3: {  	[bflag:$0x3] =	sbarrier.arrive $0xFFFF  }
0xa4: {  	_ =	shalt  }

</sc_bundles>
